<compile_context>
chip_gen: v7x
topology: tpu7x:2x2x1
jax: 0.10.2.dev20260603
libtpu: 0.0.44.dev20260713+nightly
codegen_flags: <defaults>
</compile_context>

<pallas_src>
import functools

import jax
import jax.numpy as jnp
from jax import lax
from jax.experimental import pallas as pl
from jax.experimental.pallas import tpu as pltpu
from jax.experimental.pallas import tpu_sc as plsc

BATCH = 8192
FEAT = 2048
LANES = 16
NUM_CORES = 2
NUM_SUBCORES = 16
NW = NUM_CORES * NUM_SUBCORES
R = 8
BLK = R * FEAT
NGROUPS = BATCH // R // NW
UNROLL = 4
NBUF = 3


def _make_permute():
    mesh = plsc.VectorSubcoreMesh(core_axis_name="c", subcore_axis_name="s")

    @functools.partial(
        pl.kernel,
        out_type=jax.ShapeDtypeStruct((BATCH, FEAT), jnp.float32),
        mesh=mesh,
        compiler_params=pltpu.CompilerParams(needs_layout_passes=False),
        scratch_types=[
            pltpu.VMEM((FEAT,), jnp.int32),
            pltpu.VMEM((R, FEAT), jnp.float32),
            pltpu.VMEM((R, FEAT), jnp.float32),
            pltpu.VMEM((R, FEAT), jnp.float32),
            pltpu.VMEM((R, FEAT), jnp.float32),
            pltpu.VMEM((R, FEAT), jnp.float32),
            pltpu.VMEM((R, FEAT), jnp.float32),
            pltpu.SemaphoreType.DMA,
            pltpu.SemaphoreType.DMA,
            pltpu.SemaphoreType.DMA,
            pltpu.SemaphoreType.DMA,
            pltpu.SemaphoreType.DMA,
            pltpu.SemaphoreType.DMA,
        ],
    )
    def permute(in_hbm, perm_hbm, out_hbm, perm_v, in0, in1, in2,
                out0, out1, out2, si0, si1, si2, so0, so1, so2):
        wid = lax.axis_index("s") * NUM_CORES + lax.axis_index("c")
        base = wid * NGROUPS
        ins = (in0, in1, in2)
        outs = (out0, out1, out2)
        sin = (si0, si1, si2)
        sout = (so0, so1, so2)

        pltpu.sync_copy(perm_hbm, perm_v)

        def start_in(g, b):
            pltpu.async_copy(
                in_hbm.at[pl.ds((base + g) * R, R), :], ins[b], sin[b])

        def wait_in(g, b):
            pltpu.make_async_copy(
                in_hbm.at[pl.ds((base + g) * R, R), :], ins[b],
                sin[b]).wait()

        def start_out(g, b):
            pltpu.async_copy(
                outs[b], out_hbm.at[pl.ds((base + g) * R, R), :], sout[b])

        def wait_out(g, b):
            pltpu.make_async_copy(
                outs[b], out_hbm.at[pl.ds((base + g) * R, R), :],
                sout[b]).wait()

        for b in range(NBUF):
            start_in(b, b)

        def do_group(g, b):
            wait_in(g, b)
            @pl.when(g >= NBUF)
            def _():
                wait_out(g - NBUF, b)

            in_b = ins[b]
            out_b = outs[b]

            @plsc.parallel_loop(0, FEAT // LANES, unroll=UNROLL)
            def jbody(j):
                j16 = j * LANES
                idx = perm_v[pl.ds(j16, LANES)]
                for r in range(R):
                    rv = jnp.full((LANES,), r, jnp.int32)
                    vals = plsc.load_gather(in_b, [rv, idx])
                    out_b[r, pl.ds(j16, LANES)] = vals

            start_out(g, b)

            @pl.when(g + NBUF < NGROUPS)
            def _():
                start_in(g + NBUF, b)

        def trip(h, carry):
            for b in range(NBUF):
                do_group(NBUF * h + b, b)
            return carry

        nfull = NGROUPS // NBUF
        lax.fori_loop(0, nfull, trip, 0)
        for g in range(nfull * NBUF, NGROUPS):
            do_group(g, g % NBUF)
        for g in range(NGROUPS - NBUF, NGROUPS):
            wait_out(g, g % NBUF)

    return permute


_permute_cache = []


def _get_permute():
    if not _permute_cache:
        _permute_cache.append(_make_permute())
    return _permute_cache[0]


def kernel(inputs, perm):
    out = _get_permute()(inputs, perm)
    logdet = jnp.zeros((inputs.shape[0], 1), dtype=inputs.dtype)
    return (out, logdet)

# --- scband reference (transcript-rebuilt; emitter-appended) ---
"""Pipeline reference for scband-hand-order-49718541419030 (READ-ONLY COPY).

The authoritative reference and input builder live on the scoring server;
editing this copy changes nothing except your own understanding.
"""

import jax, jax.numpy as jnp
import numpy as np

NUM_INPUTS = 2048
BATCH = 8192

def setup_inputs(seed: int = 0) -> dict:
    key = jax.random.key(seed)
    k_x, k_p = jax.random.split(key)
    inputs = jax.random.normal(k_x, (BATCH, NUM_INPUTS), dtype=jnp.float32)
    # learned/fixed permutation created at module init time
    perm = jax.random.permutation(k_p, NUM_INPUTS).astype(jnp.int32)
    return {"inputs": inputs, "perm": perm}

def reference(inputs, perm):
    # HandOrder.forward(inputs, mode='direct'):
    #   returns (inputs[:, self.perm], zeros(batch, 1))
    out = jnp.take(inputs, perm, axis=1)
    logdet = jnp.zeros((inputs.shape[0], 1), dtype=inputs.dtype)
    return (out, logdet)

if __name__ == "__main__":
    import jax
    _d = setup_inputs()
    print(jax.jit(kernel)(*tuple(_d.values())))

</pallas_src>

<mosaic_0001>
#map = affine_map<(d0, d1) -> (0, 0)>
#map1 = affine_map<(d0, d1) -> (0)>
module attributes {stable_mosaic.version = 14 : i64} {
  func.func @permute(%arg0: i32, %arg1: i32, %arg2: memref<8192x2048xf32, #tpu.memory_space<hbm>>, %arg3: memref<2048xi32, #tpu.memory_space<hbm>>, %arg4: memref<8192x2048xf32, #tpu.memory_space<hbm>>, %arg5: memref<2048xi32, #tpu.memory_space<vmem>>, %arg6: memref<8x2048xf32, #tpu.memory_space<vmem>>, %arg7: memref<8x2048xf32, #tpu.memory_space<vmem>>, %arg8: memref<8x2048xf32, #tpu.memory_space<vmem>>, %arg9: memref<8x2048xf32, #tpu.memory_space<vmem>>, %arg10: memref<8x2048xf32, #tpu.memory_space<vmem>>, %arg11: memref<8x2048xf32, #tpu.memory_space<vmem>>, %arg12: memref<!tpu.dma_semaphore, #tpu.memory_space<semaphore_mem>>, %arg13: memref<!tpu.dma_semaphore, #tpu.memory_space<semaphore_mem>>, %arg14: memref<!tpu.dma_semaphore, #tpu.memory_space<semaphore_mem>>, %arg15: memref<!tpu.dma_semaphore, #tpu.memory_space<semaphore_mem>>, %arg16: memref<!tpu.dma_semaphore, #tpu.memory_space<semaphore_mem>>, %arg17: memref<!tpu.dma_semaphore, #tpu.memory_space<semaphore_mem>>) attributes {dimension_semantics = [#tpu.dimension_semantics<core_parallel>, #tpu.dimension_semantics<subcore_parallel>], iteration_bounds = array<i64: 2, 16>, scalar_prefetch = 0 : i64, scratch_operands = 13 : i64, tpu.core_type = #tpu.core_type<sc_vector_subcore>, window_params = [{transform_indices = #map}, {transform_indices = #map1}, {transform_indices = #map}]} {
    %mul3A = arith.constant 2 : i32
    %mul3A_0 = arith.muli %arg1, %mul3A : i32
    %add3A = arith.addi %mul3A_0, %arg0 : i32
    %mul3A_1 = arith.constant 32 : i32
    %mul3A_2 = arith.muli %add3A, %mul3A_1 : i32
    "tpu.region"() ({
      %run_scoped3A = tpu.sem_alloc : memref<!tpu.dma_semaphore, #tpu.memory_space<semaphore_mem>>
      tpu.enqueue_dma source(%arg3 : memref<2048xi32, #tpu.memory_space<hbm>>) target(%arg5 : memref<2048xi32, #tpu.memory_space<vmem>>) target_semaphore(%run_scoped3A : memref<!tpu.dma_semaphore, #tpu.memory_space<semaphore_mem>>)
      tpu.wait_dma2 semaphore(%run_scoped3A : memref<!tpu.dma_semaphore, #tpu.memory_space<semaphore_mem>>) src(%arg3 : memref<2048xi32, #tpu.memory_space<hbm>>) dst(%arg5 : memref<2048xi32, #tpu.memory_space<vmem>>)
      tpu.yield
    }) : () -> ()
    %add3A_3 = arith.constant 0 : i32
    %add3A_4 = arith.addi %mul3A_2, %add3A_3 : i32
    %mul3A_5 = arith.constant 8 : i32
    %mul3A_6 = arith.muli %add3A_4, %mul3A_5 : i32
    %dma_start3A = arith.constant 0 : i32
    %dma_start3A_7 = tpu.memref_slice %arg2[%mul3A_6, %dma_start3A] : memref<8192x2048xf32, #tpu.memory_space<hbm>> -> memref<8x2048xf32, #tpu.memory_space<hbm>>
    %dma_start3A_8 = arith.constant 0 : i32
    %dma_start3A_9 = tpu.memref_slice %arg2[%mul3A_6, %dma_start3A_8] : memref<8192x2048xf32, #tpu.memory_space<hbm>> -> memref<8x2048xf32, #tpu.memory_space<hbm>>
    tpu.enqueue_dma source(%dma_start3A_9 : memref<8x2048xf32, #tpu.memory_space<hbm>>) target(%arg6 : memref<8x2048xf32, #tpu.memory_space<vmem>>) target_semaphore(%arg12 : memref<!tpu.dma_semaphore, #tpu.memory_space<semaphore_mem>>)
    %add3A_10 = arith.constant 1 : i32
    %add3A_11 = arith.addi %mul3A_2, %add3A_10 : i32
    %mul3A_12 = arith.constant 8 : i32
    %mul3A_13 = arith.muli %add3A_11, %mul3A_12 : i32
    %dma_start3A_14 = arith.constant 0 : i32
    %dma_start3A_15 = tpu.memref_slice %arg2[%mul3A_13, %dma_start3A_14] : memref<8192x2048xf32, #tpu.memory_space<hbm>> -> memref<8x2048xf32, #tpu.memory_space<hbm>>
    %dma_start3A_16 = arith.constant 0 : i32
    %dma_start3A_17 = tpu.memref_slice %arg2[%mul3A_13, %dma_start3A_16] : memref<8192x2048xf32, #tpu.memory_space<hbm>> -> memref<8x2048xf32, #tpu.memory_space<hbm>>
    tpu.enqueue_dma source(%dma_start3A_17 : memref<8x2048xf32, #tpu.memory_space<hbm>>) target(%arg7 : memref<8x2048xf32, #tpu.memory_space<vmem>>) target_semaphore(%arg13 : memref<!tpu.dma_semaphore, #tpu.memory_space<semaphore_mem>>)
    %add3A_18 = arith.constant 2 : i32
    %add3A_19 = arith.addi %mul3A_2, %add3A_18 : i32
    %mul3A_20 = arith.constant 8 : i32
    %mul3A_21 = arith.muli %add3A_19, %mul3A_20 : i32
    %dma_start3A_22 = arith.constant 0 : i32
    %dma_start3A_23 = tpu.memref_slice %arg2[%mul3A_21, %dma_start3A_22] : memref<8192x2048xf32, #tpu.memory_space<hbm>> -> memref<8x2048xf32, #tpu.memory_space<hbm>>
    %dma_start3A_24 = arith.constant 0 : i32
    %dma_start3A_25 = tpu.memref_slice %arg2[%mul3A_21, %dma_start3A_24] : memref<8192x2048xf32, #tpu.memory_space<hbm>> -> memref<8x2048xf32, #tpu.memory_space<hbm>>
    tpu.enqueue_dma source(%dma_start3A_25 : memref<8x2048xf32, #tpu.memory_space<hbm>>) target(%arg8 : memref<8x2048xf32, #tpu.memory_space<vmem>>) target_semaphore(%arg14 : memref<!tpu.dma_semaphore, #tpu.memory_space<semaphore_mem>>)
    %scan3A = arith.constant 0 : i32
    %scan3A_26 = arith.constant 0 : i32
    %scan3A_27 = arith.constant 10 : i32
    %scan3A_28 = arith.addi %scan3A_26, %scan3A_27 : i32
    %scan3A_29 = arith.constant 1 : i32
    scf.for %scan3A_107 = %scan3A_26 to %scan3A_28 step %scan3A_29  : i32 {
      %mul3A_108 = arith.constant 3 : i32
      %mul3A_109 = arith.muli %mul3A_108, %scan3A_107 : i32
      %add3A_110 = arith.constant 0 : i32
      %add3A_111 = arith.addi %mul3A_109, %add3A_110 : i32
      %add3A_112 = arith.addi %mul3A_2, %add3A_111 : i32
      %mul3A_113 = arith.constant 8 : i32
      %mul3A_114 = arith.muli %add3A_112, %mul3A_113 : i32
      %dma_wait3A_115 = arith.constant 0 : i32
      %dma_wait3A_116 = tpu.memref_slice %arg2[%mul3A_114, %dma_wait3A_115] : memref<8192x2048xf32, #tpu.memory_space<hbm>> -> memref<8x2048xf32, #tpu.memory_space<hbm>>
      %dma_wait3A_117 = arith.constant 0 : i32
      %dma_wait3A_118 = tpu.memref_slice %arg2[%mul3A_114, %dma_wait3A_117] : memref<8192x2048xf32, #tpu.memory_space<hbm>> -> memref<8x2048xf32, #tpu.memory_space<hbm>>
      tpu.wait_dma2 semaphore(%arg12 : memref<!tpu.dma_semaphore, #tpu.memory_space<semaphore_mem>>) src(%dma_wait3A_118 : memref<8x2048xf32, #tpu.memory_space<hbm>>) dst(%arg6 : memref<8x2048xf32, #tpu.memory_space<vmem>>)
      %ge3A = arith.constant 3 : i32
      %ge3A_119 = arith.cmpi sge, %add3A_111, %ge3A : i32
      %convert_element_type3A = arith.extui %ge3A_119 : i1 to i32
      %cond3A = arith.constant 0 : i32
      %cond3A_120 = arith.cmpi ne, %convert_element_type3A, %cond3A : i32
      scf.if %cond3A_120 {
        %sub3A = arith.constant 3 : i32
        %sub3A_203 = arith.subi %add3A_111, %sub3A : i32
        %add3A_204 = arith.addi %mul3A_2, %sub3A_203 : i32
        %mul3A_205 = arith.constant 8 : i32
        %mul3A_206 = arith.muli %add3A_204, %mul3A_205 : i32
        %dma_wait3A_207 = arith.constant 0 : i32
        %dma_wait3A_208 = tpu.memref_slice %arg4[%mul3A_206, %dma_wait3A_207] : memref<8192x2048xf32, #tpu.memory_space<hbm>> -> memref<8x2048xf32, #tpu.memory_space<hbm>>
        %dma_wait3A_209 = arith.constant 0 : i32
        %dma_wait3A_210 = tpu.memref_slice %arg4[%mul3A_206, %dma_wait3A_209] : memref<8192x2048xf32, #tpu.memory_space<hbm>> -> memref<8x2048xf32, #tpu.memory_space<hbm>>
        tpu.wait_dma2 semaphore(%arg15 : memref<!tpu.dma_semaphore, #tpu.memory_space<semaphore_mem>>) src(%arg9 : memref<8x2048xf32, #tpu.memory_space<vmem>>) dst(%dma_wait3A_210 : memref<8x2048xf32, #tpu.memory_space<hbm>>)
      } else {
      }
      %parallel_loop3A_121 = arith.constant 0 : i32
      %parallel_loop3A_122 = arith.constant 128 : i32
      %parallel_loop3A_123 = arith.constant 1 : i32
      scf.for %parallel_loop3A_203 = %parallel_loop3A_121 to %parallel_loop3A_122 step %parallel_loop3A_123  : i32 {
        %parallel_loop3A_204 = arith.constant 16 : i32
        %parallel_loop3A_205 = arith.muli %parallel_loop3A_203, %parallel_loop3A_204 : i32
        %parallel_loop3A_206 = arith.index_cast %parallel_loop3A_205 : i32 to index
        %parallel_loop3A_207 = tpu.vector_load %arg5[%parallel_loop3A_206] {strides = array<i32>} : memref<2048xi32, #tpu.memory_space<vmem>>, vector<16xi32>,
        %parallel_loop3A_208 = arith.constant 0 : i32
        %parallel_loop3A_209 = vector.broadcast %parallel_loop3A_208 : i32 to vector<16xi32>
        %parallel_loop3A_210 = tpu.vector_load_idx %arg6[%parallel_loop3A_209, %parallel_loop3A_207] : memref<8x2048xf32, #tpu.memory_space<vmem>>[vector<16xi32>, vector<16xi32>], vector<16xf32>,
        %parallel_loop3A_211 = arith.constant 0 : i32
        %parallel_loop3A_212 = arith.index_cast %parallel_loop3A_211 : i32 to index
        %parallel_loop3A_213 = arith.index_cast %parallel_loop3A_205 : i32 to index
        %parallel_loop3A_214 = tpu.vector_load %arg9[%parallel_loop3A_212, %parallel_loop3A_213] {strides = array<i32>} : memref<8x2048xf32, #tpu.memory_space<vmem>>, vector<16xf32>,
        tpu.vector_store %arg9[%parallel_loop3A_212, %parallel_loop3A_213], %parallel_loop3A_210 {strides = array<i32>} : memref<8x2048xf32, #tpu.memory_space<vmem>>, vector<16xf32>,
        %parallel_loop3A_215 = arith.constant 1 : i32
        %parallel_loop3A_216 = vector.broadcast %parallel_loop3A_215 : i32 to vector<16xi32>
        %parallel_loop3A_217 = tpu.vector_load_idx %arg6[%parallel_loop3A_216, %parallel_loop3A_207] : memref<8x2048xf32, #tpu.memory_space<vmem>>[vector<16xi32>, vector<16xi32>], vector<16xf32>,
        %parallel_loop3A_218 = arith.constant 1 : i32
        %parallel_loop3A_219 = arith.index_cast %parallel_loop3A_218 : i32 to index
        %parallel_loop3A_220 = arith.index_cast %parallel_loop3A_205 : i32 to index
        %parallel_loop3A_221 = tpu.vector_load %arg9[%parallel_loop3A_219, %parallel_loop3A_220] {strides = array<i32>} : memref<8x2048xf32, #tpu.memory_space<vmem>>, vector<16xf32>,
        tpu.vector_store %arg9[%parallel_loop3A_219, %parallel_loop3A_220], %parallel_loop3A_217 {strides = array<i32>} : memref<8x2048xf32, #tpu.memory_space<vmem>>, vector<16xf32>,
        %parallel_loop3A_222 = arith.constant 2 : i32
        %parallel_loop3A_223 = vector.broadcast %parallel_loop3A_222 : i32 to vector<16xi32>
        %parallel_loop3A_224 = tpu.vector_load_idx %arg6[%parallel_loop3A_223, %parallel_loop3A_207] : memref<8x2048xf32, #tpu.memory_space<vmem>>[vector<16xi32>, vector<16xi32>], vector<16xf32>,
        %parallel_loop3A_225 = arith.constant 2 : i32
        %parallel_loop3A_226 = arith.index_cast %parallel_loop3A_225 : i32 to index
        %parallel_loop3A_227 = arith.index_cast %parallel_loop3A_205 : i32 to index
        %parallel_loop3A_228 = tpu.vector_load %arg9[%parallel_loop3A_226, %parallel_loop3A_227] {strides = array<i32>} : memref<8x2048xf32, #tpu.memory_space<vmem>>, vector<16xf32>,
        tpu.vector_store %arg9[%parallel_loop3A_226, %parallel_loop3A_227], %parallel_loop3A_224 {strides = array<i32>} : memref<8x2048xf32, #tpu.memory_space<vmem>>, vector<16xf32>,
        %parallel_loop3A_229 = arith.constant 3 : i32
        %parallel_loop3A_230 = vector.broadcast %parallel_loop3A_229 : i32 to vector<16xi32>
        %parallel_loop3A_231 = tpu.vector_load_idx %arg6[%parallel_loop3A_230, %parallel_loop3A_207] : memref<8x2048xf32, #tpu.memory_space<vmem>>[vector<16xi32>, vector<16xi32>], vector<16xf32>,
        %parallel_loop3A_232 = arith.constant 3 : i32
        %parallel_loop3A_233 = arith.index_cast %parallel_loop3A_232 : i32 to index
        %parallel_loop3A_234 = arith.index_cast %parallel_loop3A_205 : i32 to index
        %parallel_loop3A_235 = tpu.vector_load %arg9[%parallel_loop3A_233, %parallel_loop3A_234] {strides = array<i32>} : memref<8x2048xf32, #tpu.memory_space<vmem>>, vector<16xf32>,
        tpu.vector_store %arg9[%parallel_loop3A_233, %parallel_loop3A_234], %parallel_loop3A_231 {strides = array<i32>} : memref<8x2048xf32, #tpu.memory_space<vmem>>, vector<16xf32>,
        %parallel_loop3A_236 = arith.constant 4 : i32
        %parallel_loop3A_237 = vector.broadcast %parallel_loop3A_236 : i32 to vector<16xi32>
        %parallel_loop3A_238 = tpu.vector_load_idx %arg6[%parallel_loop3A_237, %parallel_loop3A_207] : memref<8x2048xf32, #tpu.memory_space<vmem>>[vector<16xi32>, vector<16xi32>], vector<16xf32>,
        %parallel_loop3A_239 = arith.constant 4 : i32
        %parallel_loop3A_240 = arith.index_cast %parallel_loop3A_239 : i32 to index
        %parallel_loop3A_241 = arith.index_cast %parallel_loop3A_205 : i32 to index
        %parallel_loop3A_242 = tpu.vector_load %arg9[%parallel_loop3A_240, %parallel_loop3A_241] {strides = array<i32>} : memref<8x2048xf32, #tpu.memory_space<vmem>>, vector<16xf32>,
        tpu.vector_store %arg9[%parallel_loop3A_240, %parallel_loop3A_241], %parallel_loop3A_238 {strides = array<i32>} : memref<8x2048xf32, #tpu.memory_space<vmem>>, vector<16xf32>,
        %parallel_loop3A_243 = arith.constant 5 : i32
        %parallel_loop3A_244 = vector.broadcast %parallel_loop3A_243 : i32 to vector<16xi32>
        %parallel_loop3A_245 = tpu.vector_load_idx %arg6[%parallel_loop3A_244, %parallel_loop3A_207] : memref<8x2048xf32, #tpu.memory_space<vmem>>[vector<16xi32>, vector<16xi32>], vector<16xf32>,
        %parallel_loop3A_246 = arith.constant 5 : i32
        %parallel_loop3A_247 = arith.index_cast %parallel_loop3A_246 : i32 to index
        %parallel_loop3A_248 = arith.index_cast %parallel_loop3A_205 : i32 to index
        %parallel_loop3A_249 = tpu.vector_load %arg9[%parallel_loop3A_247, %parallel_loop3A_248] {strides = array<i32>} : memref<8x2048xf32, #tpu.memory_space<vmem>>, vector<16xf32>,
        tpu.vector_store %arg9[%parallel_loop3A_247, %parallel_loop3A_248], %parallel_loop3A_245 {strides = array<i32>} : memref<8x2048xf32, #tpu.memory_space<vmem>>, vector<16xf32>,
        %parallel_loop3A_250 = arith.constant 6 : i32
        %parallel_loop3A_251 = vector.broadcast %parallel_loop3A_250 : i32 to vector<16xi32>
        %parallel_loop3A_252 = tpu.vector_load_idx %arg6[%parallel_loop3A_251, %parallel_loop3A_207] : memref<8x2048xf32, #tpu.memory_space<vmem>>[vector<16xi32>, vector<16xi32>], vector<16xf32>,
        %parallel_loop3A_253 = arith.constant 6 : i32
        %parallel_loop3A_254 = arith.index_cast %parallel_loop3A_253 : i32 to index
        %parallel_loop3A_255 = arith.index_cast %parallel_loop3A_205 : i32 to index
        %parallel_loop3A_256 = tpu.vector_load %arg9[%parallel_loop3A_254, %parallel_loop3A_255] {strides = array<i32>} : memref<8x2048xf32, #tpu.memory_space<vmem>>, vector<16xf32>,
        tpu.vector_store %arg9[%parallel_loop3A_254, %parallel_loop3A_255], %parallel_loop3A_252 {strides = array<i32>} : memref<8x2048xf32, #tpu.memory_space<vmem>>, vector<16xf32>,
        %parallel_loop3A_257 = arith.constant 7 : i32
        %parallel_loop3A_258 = vector.broadcast %parallel_loop3A_257 : i32 to vector<16xi32>
        %parallel_loop3A_259 = tpu.vector_load_idx %arg6[%parallel_loop3A_258, %parallel_loop3A_207] : memref<8x2048xf32, #tpu.memory_space<vmem>>[vector<16xi32>, vector<16xi32>], vector<16xf32>,
        %parallel_loop3A_260 = arith.constant 7 : i32
        %parallel_loop3A_261 = arith.index_cast %parallel_loop3A_260 : i32 to index
        %parallel_loop3A_262 = arith.index_cast %parallel_loop3A_205 : i32 to index
        %parallel_loop3A_263 = tpu.vector_load %arg9[%parallel_loop3A_261, %parallel_loop3A_262] {strides = array<i32>} : memref<8x2048xf32, #tpu.memory_space<vmem>>, vector<16xf32>,
        tpu.vector_store %arg9[%parallel_loop3A_261, %parallel_loop3A_262], %parallel_loop3A_259 {strides = array<i32>} : memref<8x2048xf32, #tpu.memory_space<vmem>>, vector<16xf32>,
      } {sc.loop_unroll_factor = 4 : i64, sc.parallel_access}
      %add3A_124 = arith.addi %mul3A_2, %add3A_111 : i32
      %mul3A_125 = arith.constant 8 : i32
      %mul3A_126 = arith.muli %add3A_124, %mul3A_125 : i32
      %dma_start3A_127 = arith.constant 0 : i32
      %dma_start3A_128 = tpu.memref_slice %arg4[%mul3A_126, %dma_start3A_127] : memref<8192x2048xf32, #tpu.memory_space<hbm>> -> memref<8x2048xf32, #tpu.memory_space<hbm>>
      %dma_start3A_129 = arith.constant 0 : i32
      %dma_start3A_130 = tpu.memref_slice %arg4[%mul3A_126, %dma_start3A_129] : memref<8192x2048xf32, #tpu.memory_space<hbm>> -> memref<8x2048xf32, #tpu.memory_space<hbm>>
      tpu.enqueue_dma source(%arg9 : memref<8x2048xf32, #tpu.memory_space<vmem>>) target(%dma_start3A_130 : memref<8x2048xf32, #tpu.memory_space<hbm>>) target_semaphore(%arg15 : memref<!tpu.dma_semaphore, #tpu.memory_space<semaphore_mem>>)
      %add3A_131 = arith.constant 3 : i32
      %add3A_132 = arith.addi %add3A_111, %add3A_131 : i32
      %lt3A = arith.constant 32 : i32
      %lt3A_133 = arith.cmpi slt, %add3A_132, %lt3A : i32
      %convert_element_type3A_134 = arith.extui %lt3A_133 : i1 to i32
      %cond3A_135 = arith.constant 0 : i32
      %cond3A_136 = arith.cmpi ne, %convert_element_type3A_134, %cond3A_135 : i32
      scf.if %cond3A_136 {
        %add3A_203 = arith.constant 3 : i32
        %add3A_204 = arith.addi %add3A_111, %add3A_203 : i32
        %add3A_205 = arith.addi %mul3A_2, %add3A_204 : i32
        %mul3A_206 = arith.constant 8 : i32
        %mul3A_207 = arith.muli %add3A_205, %mul3A_206 : i32
        %dma_start3A_208 = arith.constant 0 : i32
        %dma_start3A_209 = tpu.memref_slice %arg2[%mul3A_207, %dma_start3A_208] : memref<8192x2048xf32, #tpu.memory_space<hbm>> -> memref<8x2048xf32, #tpu.memory_space<hbm>>
        %dma_start3A_210 = arith.constant 0 : i32
        %dma_start3A_211 = tpu.memref_slice %arg2[%mul3A_207, %dma_start3A_210] : memref<8192x2048xf32, #tpu.memory_space<hbm>> -> memref<8x2048xf32, #tpu.memory_space<hbm>>
        tpu.enqueue_dma source(%dma_start3A_211 : memref<8x2048xf32, #tpu.memory_space<hbm>>) target(%arg6 : memref<8x2048xf32, #tpu.memory_space<vmem>>) target_semaphore(%arg12 : memref<!tpu.dma_semaphore, #tpu.memory_space<semaphore_mem>>)
      } else {
      }
      %mul3A_137 = arith.constant 3 : i32
      %mul3A_138 = arith.muli %mul3A_137, %scan3A_107 : i32
      %add3A_139 = arith.constant 1 : i32
      %add3A_140 = arith.addi %mul3A_138, %add3A_139 : i32
      %add3A_141 = arith.addi %mul3A_2, %add3A_140 : i32
      %mul3A_142 = arith.constant 8 : i32
      %mul3A_143 = arith.muli %add3A_141, %mul3A_142 : i32
      %dma_wait3A_144 = arith.constant 0 : i32
      %dma_wait3A_145 = tpu.memref_slice %arg2[%mul3A_143, %dma_wait3A_144] : memref<8192x2048xf32, #tpu.memory_space<hbm>> -> memref<8x2048xf32, #tpu.memory_space<hbm>>
      %dma_wait3A_146 = arith.constant 0 : i32
      %dma_wait3A_147 = tpu.memref_slice %arg2[%mul3A_143, %dma_wait3A_146] : memref<8192x2048xf32, #tpu.memory_space<hbm>> -> memref<8x2048xf32, #tpu.memory_space<hbm>>
      tpu.wait_dma2 semaphore(%arg13 : memref<!tpu.dma_semaphore, #tpu.memory_space<semaphore_mem>>) src(%dma_wait3A_147 : memref<8x2048xf32, #tpu.memory_space<hbm>>) dst(%arg7 : memref<8x2048xf32, #tpu.memory_space<vmem>>)
      %ge3A_148 = arith.constant 3 : i32
      %ge3A_149 = arith.cmpi sge, %add3A_140, %ge3A_148 : i32
      %convert_element_type3A_150 = arith.extui %ge3A_149 : i1 to i32
      %cond3A_151 = arith.constant 0 : i32
      %cond3A_152 = arith.cmpi ne, %convert_element_type3A_150, %cond3A_151 : i32
      scf.if %cond3A_152 {
        %sub3A = arith.constant 3 : i32
        %sub3A_203 = arith.subi %add3A_140, %sub3A : i32
        %add3A_204 = arith.addi %mul3A_2, %sub3A_203 : i32
        %mul3A_205 = arith.constant 8 : i32
        %mul3A_206 = arith.muli %add3A_204, %mul3A_205 : i32
        %dma_wait3A_207 = arith.constant 0 : i32
        %dma_wait3A_208 = tpu.memref_slice %arg4[%mul3A_206, %dma_wait3A_207] : memref<8192x2048xf32, #tpu.memory_space<hbm>> -> memref<8x2048xf32, #tpu.memory_space<hbm>>
        %dma_wait3A_209 = arith.constant 0 : i32
        %dma_wait3A_210 = tpu.memref_slice %arg4[%mul3A_206, %dma_wait3A_209] : memref<8192x2048xf32, #tpu.memory_space<hbm>> -> memref<8x2048xf32, #tpu.memory_space<hbm>>
        tpu.wait_dma2 semaphore(%arg16 : memref<!tpu.dma_semaphore, #tpu.memory_space<semaphore_mem>>) src(%arg10 : memref<8x2048xf32, #tpu.memory_space<vmem>>) dst(%dma_wait3A_210 : memref<8x2048xf32, #tpu.memory_space<hbm>>)
      } else {
      }
      %parallel_loop3A_153 = arith.constant 0 : i32
      %parallel_loop3A_154 = arith.constant 128 : i32
      %parallel_loop3A_155 = arith.constant 1 : i32
      scf.for %parallel_loop3A_203 = %parallel_loop3A_153 to %parallel_loop3A_154 step %parallel_loop3A_155  : i32 {
        %parallel_loop3A_204 = arith.constant 16 : i32
        %parallel_loop3A_205 = arith.muli %parallel_loop3A_203, %parallel_loop3A_204 : i32
        %parallel_loop3A_206 = arith.index_cast %parallel_loop3A_205 : i32 to index
        %parallel_loop3A_207 = tpu.vector_load %arg5[%parallel_loop3A_206] {strides = array<i32>} : memref<2048xi32, #tpu.memory_space<vmem>>, vector<16xi32>,
        %parallel_loop3A_208 = arith.constant 0 : i32
        %parallel_loop3A_209 = vector.broadcast %parallel_loop3A_208 : i32 to vector<16xi32>
        %parallel_loop3A_210 = tpu.vector_load_idx %arg7[%parallel_loop3A_209, %parallel_loop3A_207] : memref<8x2048xf32, #tpu.memory_space<vmem>>[vector<16xi32>, vector<16xi32>], vector<16xf32>,
        %parallel_loop3A_211 = arith.constant 0 : i32
        %parallel_loop3A_212 = arith.index_cast %parallel_loop3A_211 : i32 to index
        %parallel_loop3A_213 = arith.index_cast %parallel_loop3A_205 : i32 to index
        %parallel_loop3A_214 = tpu.vector_load %arg10[%parallel_loop3A_212, %parallel_loop3A_213] {strides = array<i32>} : memref<8x2048xf32, #tpu.memory_space<vmem>>, vector<16xf32>,
        tpu.vector_store %arg10[%parallel_loop3A_212, %parallel_loop3A_213], %parallel_loop3A_210 {strides = array<i32>} : memref<8x2048xf32, #tpu.memory_space<vmem>>, vector<16xf32>,
        %parallel_loop3A_215 = arith.constant 1 : i32
        %parallel_loop3A_216 = vector.broadcast %parallel_loop3A_215 : i32 to vector<16xi32>
        %parallel_loop3A_217 = tpu.vector_load_idx %arg7[%parallel_loop3A_216, %parallel_loop3A_207] : memref<8x2048xf32, #tpu.memory_space<vmem>>[vector<16xi32>, vector<16xi32>], vector<16xf32>,
        %parallel_loop3A_218 = arith.constant 1 : i32
        %parallel_loop3A_219 = arith.index_cast %parallel_loop3A_218 : i32 to index
        %parallel_loop3A_220 = arith.index_cast %parallel_loop3A_205 : i32 to index
        %parallel_loop3A_221 = tpu.vector_load %arg10[%parallel_loop3A_219, %parallel_loop3A_220] {strides = array<i32>} : memref<8x2048xf32, #tpu.memory_space<vmem>>, vector<16xf32>,
        tpu.vector_store %arg10[%parallel_loop3A_219, %parallel_loop3A_220], %parallel_loop3A_217 {strides = array<i32>} : memref<8x2048xf32, #tpu.memory_space<vmem>>, vector<16xf32>,
        %parallel_loop3A_222 = arith.constant 2 : i32
        %parallel_loop3A_223 = vector.broadcast %parallel_loop3A_222 : i32 to vector<16xi32>
        %parallel_loop3A_224 = tpu.vector_load_idx %arg7[%parallel_loop3A_223, %parallel_loop3A_207] : memref<8x2048xf32, #tpu.memory_space<vmem>>[vector<16xi32>, vector<16xi32>], vector<16xf32>,
        %parallel_loop3A_225 = arith.constant 2 : i32
        %parallel_loop3A_226 = arith.index_cast %parallel_loop3A_225 : i32 to index
        %parallel_loop3A_227 = arith.index_cast %parallel_loop3A_205 : i32 to index
        %parallel_loop3A_228 = tpu.vector_load %arg10[%parallel_loop3A_226, %parallel_loop3A_227] {strides = array<i32>} : memref<8x2048xf32, #tpu.memory_space<vmem>>, vector<16xf32>,
        tpu.vector_store %arg10[%parallel_loop3A_226, %parallel_loop3A_227], %parallel_loop3A_224 {strides = array<i32>} : memref<8x2048xf32, #tpu.memory_space<vmem>>, vector<16xf32>,
        %parallel_loop3A_229 = arith.constant 3 : i32
        %parallel_loop3A_230 = vector.broadcast %parallel_loop3A_229 : i32 to vector<16xi32>
        %parallel_loop3A_231 = tpu.vector_load_idx %arg7[%parallel_loop3A_230, %parallel_loop3A_207] : memref<8x2048xf32, #tpu.memory_space<vmem>>[vector<16xi32>, vector<16xi32>], vector<16xf32>,
        %parallel_loop3A_232 = arith.constant 3 : i32
        %parallel_loop3A_233 = arith.index_cast %parallel_loop3A_232 : i32 to index
        %parallel_loop3A_234 = arith.index_cast %parallel_loop3A_205 : i32 to index
        %parallel_loop3A_235 = tpu.vector_load %arg10[%parallel_loop3A_233, %parallel_loop3A_234] {strides = array<i32>} : memref<8x2048xf32, #tpu.memory_space<vmem>>, vector<16xf32>,
        tpu.vector_store %arg10[%parallel_loop3A_233, %parallel_loop3A_234], %parallel_loop3A_231 {strides = array<i32>} : memref<8x2048xf32, #tpu.memory_space<vmem>>, vector<16xf32>,
        %parallel_loop3A_236 = arith.constant 4 : i32
        %parallel_loop3A_237 = vector.broadcast %parallel_loop3A_236 : i32 to vector<16xi32>
        %parallel_loop3A_238 = tpu.vector_load_idx %arg7[%parallel_loop3A_237, %parallel_loop3A_207] : memref<8x2048xf32, #tpu.memory_space<vmem>>[vector<16xi32>, vector<16xi32>], vector<16xf32>,
        %parallel_loop3A_239 = arith.constant 4 : i32
        %parallel_loop3A_240 = arith.index_cast %parallel_loop3A_239 : i32 to index
        %parallel_loop3A_241 = arith.index_cast %parallel_loop3A_205 : i32 to index
        %parallel_loop3A_242 = tpu.vector_load %arg10[%parallel_loop3A_240, %parallel_loop3A_241] {strides = array<i32>} : memref<8x2048xf32, #tpu.memory_space<vmem>>, vector<16xf32>,
        tpu.vector_store %arg10[%parallel_loop3A_240, %parallel_loop3A_241], %parallel_loop3A_238 {strides = array<i32>} : memref<8x2048xf32, #tpu.memory_space<vmem>>, vector<16xf32>,
        %parallel_loop3A_243 = arith.constant 5 : i32
        %parallel_loop3A_244 = vector.broadcast %parallel_loop3A_243 : i32 to vector<16xi32>
        %parallel_loop3A_245 = tpu.vector_load_idx %arg7[%parallel_loop3A_244, %parallel_loop3A_207] : memref<8x2048xf32, #tpu.memory_space<vmem>>[vector<16xi32>, vector<16xi32>], vector<16xf32>,
        %parallel_loop3A_246 = arith.constant 5 : i32
        %parallel_loop3A_247 = arith.index_cast %parallel_loop3A_246 : i32 to index
        %parallel_loop3A_248 = arith.index_cast %parallel_loop3A_205 : i32 to index
        %parallel_loop3A_249 = tpu.vector_load %arg10[%parallel_loop3A_247, %parallel_loop3A_248] {strides = array<i32>} : memref<8x2048xf32, #tpu.memory_space<vmem>>, vector<16xf32>,
        tpu.vector_store %arg10[%parallel_loop3A_247, %parallel_loop3A_248], %parallel_loop3A_245 {strides = array<i32>} : memref<8x2048xf32, #tpu.memory_space<vmem>>, vector<16xf32>,
        %parallel_loop3A_250 = arith.constant 6 : i32
        %parallel_loop3A_251 = vector.broadcast %parallel_loop3A_250 : i32 to vector<16xi32>
        %parallel_loop3A_252 = tpu.vector_load_idx %arg7[%parallel_loop3A_251, %parallel_loop3A_207] : memref<8x2048xf32, #tpu.memory_space<vmem>>[vector<16xi32>, vector<16xi32>], vector<16xf32>,
        %parallel_loop3A_253 = arith.constant 6 : i32
        %parallel_loop3A_254 = arith.index_cast %parallel_loop3A_253 : i32 to index
        %parallel_loop3A_255 = arith.index_cast %parallel_loop3A_205 : i32 to index
        %parallel_loop3A_256 = tpu.vector_load %arg10[%parallel_loop3A_254, %parallel_loop3A_255] {strides = array<i32>} : memref<8x2048xf32, #tpu.memory_space<vmem>>, vector<16xf32>,
        tpu.vector_store %arg10[%parallel_loop3A_254, %parallel_loop3A_255], %parallel_loop3A_252 {strides = array<i32>} : memref<8x2048xf32, #tpu.memory_space<vmem>>, vector<16xf32>,
        %parallel_loop3A_257 = arith.constant 7 : i32
        %parallel_loop3A_258 = vector.broadcast %parallel_loop3A_257 : i32 to vector<16xi32>
        %parallel_loop3A_259 = tpu.vector_load_idx %arg7[%parallel_loop3A_258, %parallel_loop3A_207] : memref<8x2048xf32, #tpu.memory_space<vmem>>[vector<16xi32>, vector<16xi32>], vector<16xf32>,
        %parallel_loop3A_260 = arith.constant 7 : i32
        %parallel_loop3A_261 = arith.index_cast %parallel_loop3A_260 : i32 to index
        %parallel_loop3A_262 = arith.index_cast %parallel_loop3A_205 : i32 to index
        %parallel_loop3A_263 = tpu.vector_load %arg10[%parallel_loop3A_261, %parallel_loop3A_262] {strides = array<i32>} : memref<8x2048xf32, #tpu.memory_space<vmem>>, vector<16xf32>,
        tpu.vector_store %arg10[%parallel_loop3A_261, %parallel_loop3A_262], %parallel_loop3A_259 {strides = array<i32>} : memref<8x2048xf32, #tpu.memory_space<vmem>>, vector<16xf32>,
      } {sc.loop_unroll_factor = 4 : i64, sc.parallel_access}
      %add3A_156 = arith.addi %mul3A_2, %add3A_140 : i32
      %mul3A_157 = arith.constant 8 : i32
      %mul3A_158 = arith.muli %add3A_156, %mul3A_157 : i32
      %dma_start3A_159 = arith.constant 0 : i32
      %dma_start3A_160 = tpu.memref_slice %arg4[%mul3A_158, %dma_start3A_159] : memref<8192x2048xf32, #tpu.memory_space<hbm>> -> memref<8x2048xf32, #tpu.memory_space<hbm>>
      %dma_start3A_161 = arith.constant 0 : i32
      %dma_start3A_162 = tpu.memref_slice %arg4[%mul3A_158, %dma_start3A_161] : memref<8192x2048xf32, #tpu.memory_space<hbm>> -> memref<8x2048xf32, #tpu.memory_space<hbm>>
      tpu.enqueue_dma source(%arg10 : memref<8x2048xf32, #tpu.memory_space<vmem>>) target(%dma_start3A_162 : memref<8x2048xf32, #tpu.memory_space<hbm>>) target_semaphore(%arg16 : memref<!tpu.dma_semaphore, #tpu.memory_space<semaphore_mem>>)
      %add3A_163 = arith.constant 3 : i32
      %add3A_164 = arith.addi %add3A_140, %add3A_163 : i32
      %lt3A_165 = arith.constant 32 : i32
      %lt3A_166 = arith.cmpi slt, %add3A_164, %lt3A_165 : i32
      %convert_element_type3A_167 = arith.extui %lt3A_166 : i1 to i32
      %cond3A_168 = arith.constant 0 : i32
      %cond3A_169 = arith.cmpi ne, %convert_element_type3A_167, %cond3A_168 : i32
      scf.if %cond3A_169 {
        %add3A_203 = arith.constant 3 : i32
        %add3A_204 = arith.addi %add3A_140, %add3A_203 : i32
        %add3A_205 = arith.addi %mul3A_2, %add3A_204 : i32
        %mul3A_206 = arith.constant 8 : i32
        %mul3A_207 = arith.muli %add3A_205, %mul3A_206 : i32
        %dma_start3A_208 = arith.constant 0 : i32
        %dma_start3A_209 = tpu.memref_slice %arg2[%mul3A_207, %dma_start3A_208] : memref<8192x2048xf32, #tpu.memory_space<hbm>> -> memref<8x2048xf32, #tpu.memory_space<hbm>>
        %dma_start3A_210 = arith.constant 0 : i32
        %dma_start3A_211 = tpu.memref_slice %arg2[%mul3A_207, %dma_start3A_210] : memref<8192x2048xf32, #tpu.memory_space<hbm>> -> memref<8x2048xf32, #tpu.memory_space<hbm>>
        tpu.enqueue_dma source(%dma_start3A_211 : memref<8x2048xf32, #tpu.memory_space<hbm>>) target(%arg7 : memref<8x2048xf32, #tpu.memory_space<vmem>>) target_semaphore(%arg13 : memref<!tpu.dma_semaphore, #tpu.memory_space<semaphore_mem>>)
      } else {
      }
      %mul3A_170 = arith.constant 3 : i32
      %mul3A_171 = arith.muli %mul3A_170, %scan3A_107 : i32
      %add3A_172 = arith.constant 2 : i32
      %add3A_173 = arith.addi %mul3A_171, %add3A_172 : i32
      %add3A_174 = arith.addi %mul3A_2, %add3A_173 : i32
      %mul3A_175 = arith.constant 8 : i32
      %mul3A_176 = arith.muli %add3A_174, %mul3A_175 : i32
      %dma_wait3A_177 = arith.constant 0 : i32
      %dma_wait3A_178 = tpu.memref_slice %arg2[%mul3A_176, %dma_wait3A_177] : memref<8192x2048xf32, #tpu.memory_space<hbm>> -> memref<8x2048xf32, #tpu.memory_space<hbm>>
      %dma_wait3A_179 = arith.constant 0 : i32
      %dma_wait3A_180 = tpu.memref_slice %arg2[%mul3A_176, %dma_wait3A_179] : memref<8192x2048xf32, #tpu.memory_space<hbm>> -> memref<8x2048xf32, #tpu.memory_space<hbm>>
      tpu.wait_dma2 semaphore(%arg14 : memref<!tpu.dma_semaphore, #tpu.memory_space<semaphore_mem>>) src(%dma_wait3A_180 : memref<8x2048xf32, #tpu.memory_space<hbm>>) dst(%arg8 : memref<8x2048xf32, #tpu.memory_space<vmem>>)
      %ge3A_181 = arith.constant 3 : i32
      %ge3A_182 = arith.cmpi sge, %add3A_173, %ge3A_181 : i32
      %convert_element_type3A_183 = arith.extui %ge3A_182 : i1 to i32
      %cond3A_184 = arith.constant 0 : i32
      %cond3A_185 = arith.cmpi ne, %convert_element_type3A_183, %cond3A_184 : i32
      scf.if %cond3A_185 {
        %sub3A = arith.constant 3 : i32
        %sub3A_203 = arith.subi %add3A_173, %sub3A : i32
        %add3A_204 = arith.addi %mul3A_2, %sub3A_203 : i32
        %mul3A_205 = arith.constant 8 : i32
        %mul3A_206 = arith.muli %add3A_204, %mul3A_205 : i32
        %dma_wait3A_207 = arith.constant 0 : i32
        %dma_wait3A_208 = tpu.memref_slice %arg4[%mul3A_206, %dma_wait3A_207] : memref<8192x2048xf32, #tpu.memory_space<hbm>> -> memref<8x2048xf32, #tpu.memory_space<hbm>>
        %dma_wait3A_209 = arith.constant 0 : i32
        %dma_wait3A_210 = tpu.memref_slice %arg4[%mul3A_206, %dma_wait3A_209] : memref<8192x2048xf32, #tpu.memory_space<hbm>> -> memref<8x2048xf32, #tpu.memory_space<hbm>>
        tpu.wait_dma2 semaphore(%arg17 : memref<!tpu.dma_semaphore, #tpu.memory_space<semaphore_mem>>) src(%arg11 : memref<8x2048xf32, #tpu.memory_space<vmem>>) dst(%dma_wait3A_210 : memref<8x2048xf32, #tpu.memory_space<hbm>>)
      } else {
      }
      %parallel_loop3A_186 = arith.constant 0 : i32
      %parallel_loop3A_187 = arith.constant 128 : i32
      %parallel_loop3A_188 = arith.constant 1 : i32
      scf.for %parallel_loop3A_203 = %parallel_loop3A_186 to %parallel_loop3A_187 step %parallel_loop3A_188  : i32 {
        %parallel_loop3A_204 = arith.constant 16 : i32
        %parallel_loop3A_205 = arith.muli %parallel_loop3A_203, %parallel_loop3A_204 : i32
        %parallel_loop3A_206 = arith.index_cast %parallel_loop3A_205 : i32 to index
        %parallel_loop3A_207 = tpu.vector_load %arg5[%parallel_loop3A_206] {strides = array<i32>} : memref<2048xi32, #tpu.memory_space<vmem>>, vector<16xi32>,
        %parallel_loop3A_208 = arith.constant 0 : i32
        %parallel_loop3A_209 = vector.broadcast %parallel_loop3A_208 : i32 to vector<16xi32>
        %parallel_loop3A_210 = tpu.vector_load_idx %arg8[%parallel_loop3A_209, %parallel_loop3A_207] : memref<8x2048xf32, #tpu.memory_space<vmem>>[vector<16xi32>, vector<16xi32>], vector<16xf32>,
        %parallel_loop3A_211 = arith.constant 0 : i32
        %parallel_loop3A_212 = arith.index_cast %parallel_loop3A_211 : i32 to index
        %parallel_loop3A_213 = arith.index_cast %parallel_loop3A_205 : i32 to index
        %parallel_loop3A_214 = tpu.vector_load %arg11[%parallel_loop3A_212, %parallel_loop3A_213] {strides = array<i32>} : memref<8x2048xf32, #tpu.memory_space<vmem>>, vector<16xf32>,
        tpu.vector_store %arg11[%parallel_loop3A_212, %parallel_loop3A_213], %parallel_loop3A_210 {strides = array<i32>} : memref<8x2048xf32, #tpu.memory_space<vmem>>, vector<16xf32>,
        %parallel_loop3A_215 = arith.constant 1 : i32
        %parallel_loop3A_216 = vector.broadcast %parallel_loop3A_215 : i32 to vector<16xi32>
        %parallel_loop3A_217 = tpu.vector_load_idx %arg8[%parallel_loop3A_216, %parallel_loop3A_207] : memref<8x2048xf32, #tpu.memory_space<vmem>>[vector<16xi32>, vector<16xi32>], vector<16xf32>,
        %parallel_loop3A_218 = arith.constant 1 : i32
        %parallel_loop3A_219 = arith.index_cast %parallel_loop3A_218 : i32 to index
        %parallel_loop3A_220 = arith.index_cast %parallel_loop3A_205 : i32 to index
        %parallel_loop3A_221 = tpu.vector_load %arg11[%parallel_loop3A_219, %parallel_loop3A_220] {strides = array<i32>} : memref<8x2048xf32, #tpu.memory_space<vmem>>, vector<16xf32>,
        tpu.vector_store %arg11[%parallel_loop3A_219, %parallel_loop3A_220], %parallel_loop3A_217 {strides = array<i32>} : memref<8x2048xf32, #tpu.memory_space<vmem>>, vector<16xf32>,
        %parallel_loop3A_222 = arith.constant 2 : i32
        %parallel_loop3A_223 = vector.broadcast %parallel_loop3A_222 : i32 to vector<16xi32>
        %parallel_loop3A_224 = tpu.vector_load_idx %arg8[%parallel_loop3A_223, %parallel_loop3A_207] : memref<8x2048xf32, #tpu.memory_space<vmem>>[vector<16xi32>, vector<16xi32>], vector<16xf32>,
        %parallel_loop3A_225 = arith.constant 2 : i32
        %parallel_loop3A_226 = arith.index_cast %parallel_loop3A_225 : i32 to index
        %parallel_loop3A_227 = arith.index_cast %parallel_loop3A_205 : i32 to index
        %parallel_loop3A_228 = tpu.vector_load %arg11[%parallel_loop3A_226, %parallel_loop3A_227] {strides = array<i32>} : memref<8x2048xf32, #tpu.memory_space<vmem>>, vector<16xf32>,
        tpu.vector_store %arg11[%parallel_loop3A_226, %parallel_loop3A_227], %parallel_loop3A_224 {strides = array<i32>} : memref<8x2048xf32, #tpu.memory_space<vmem>>, vector<16xf32>,
        %parallel_loop3A_229 = arith.constant 3 : i32
        %parallel_loop3A_230 = vector.broadcast %parallel_loop3A_229 : i32 to vector<16xi32>
        %parallel_loop3A_231 = tpu.vector_load_idx %arg8[%parallel_loop3A_230, %parallel_loop3A_207] : memref<8x2048xf32, #tpu.memory_space<vmem>>[vector<16xi32>, vector<16xi32>], vector<16xf32>,
        %parallel_loop3A_232 = arith.constant 3 : i32
        %parallel_loop3A_233 = arith.index_cast %parallel_loop3A_232 : i32 to index
        %parallel_loop3A_234 = arith.index_cast %parallel_loop3A_205 : i32 to index
        %parallel_loop3A_235 = tpu.vector_load %arg11[%parallel_loop3A_233, %parallel_loop3A_234] {strides = array<i32>} : memref<8x2048xf32, #tpu.memory_space<vmem>>, vector<16xf32>,
        tpu.vector_store %arg11[%parallel_loop3A_233, %parallel_loop3A_234], %parallel_loop3A_231 {strides = array<i32>} : memref<8x2048xf32, #tpu.memory_space<vmem>>, vector<16xf32>,
        %parallel_loop3A_236 = arith.constant 4 : i32
        %parallel_loop3A_237 = vector.broadcast %parallel_loop3A_236 : i32 to vector<16xi32>
        %parallel_loop3A_238 = tpu.vector_load_idx %arg8[%parallel_loop3A_237, %parallel_loop3A_207] : memref<8x2048xf32, #tpu.memory_space<vmem>>[vector<16xi32>, vector<16xi32>], vector<16xf32>,
        %parallel_loop3A_239 = arith.constant 4 : i32
        %parallel_loop3A_240 = arith.index_cast %parallel_loop3A_239 : i32 to index
        %parallel_loop3A_241 = arith.index_cast %parallel_loop3A_205 : i32 to index
        %parallel_loop3A_242 = tpu.vector_load %arg11[%parallel_loop3A_240, %parallel_loop3A_241] {strides = array<i32>} : memref<8x2048xf32, #tpu.memory_space<vmem>>, vector<16xf32>,
        tpu.vector_store %arg11[%parallel_loop3A_240, %parallel_loop3A_241], %parallel_loop3A_238 {strides = array<i32>} : memref<8x2048xf32, #tpu.memory_space<vmem>>, vector<16xf32>,
        %parallel_loop3A_243 = arith.constant 5 : i32
        %parallel_loop3A_244 = vector.broadcast %parallel_loop3A_243 : i32 to vector<16xi32>
        %parallel_loop3A_245 = tpu.vector_load_idx %arg8[%parallel_loop3A_244, %parallel_loop3A_207] : memref<8x2048xf32, #tpu.memory_space<vmem>>[vector<16xi32>, vector<16xi32>], vector<16xf32>,
        %parallel_loop3A_246 = arith.constant 5 : i32
        %parallel_loop3A_247 = arith.index_cast %parallel_loop3A_246 : i32 to index
        %parallel_loop3A_248 = arith.index_cast %parallel_loop3A_205 : i32 to index
        %parallel_loop3A_249 = tpu.vector_load %arg11[%parallel_loop3A_247, %parallel_loop3A_248] {strides = array<i32>} : memref<8x2048xf32, #tpu.memory_space<vmem>>, vector<16xf32>,
        tpu.vector_store %arg11[%parallel_loop3A_247, %parallel_loop3A_248], %parallel_loop3A_245 {strides = array<i32>} : memref<8x2048xf32, #tpu.memory_space<vmem>>, vector<16xf32>,
        %parallel_loop3A_250 = arith.constant 6 : i32
        %parallel_loop3A_251 = vector.broadcast %parallel_loop3A_250 : i32 to vector<16xi32>
        %parallel_loop3A_252 = tpu.vector_load_idx %arg8[%parallel_loop3A_251, %parallel_loop3A_207] : memref<8x2048xf32, #tpu.memory_space<vmem>>[vector<16xi32>, vector<16xi32>], vector<16xf32>,
        %parallel_loop3A_253 = arith.constant 6 : i32
        %parallel_loop3A_254 = arith.index_cast %parallel_loop3A_253 : i32 to index
        %parallel_loop3A_255 = arith.index_cast %parallel_loop3A_205 : i32 to index
        %parallel_loop3A_256 = tpu.vector_load %arg11[%parallel_loop3A_254, %parallel_loop3A_255] {strides = array<i32>} : memref<8x2048xf32, #tpu.memory_space<vmem>>, vector<16xf32>,
        tpu.vector_store %arg11[%parallel_loop3A_254, %parallel_loop3A_255], %parallel_loop3A_252 {strides = array<i32>} : memref<8x2048xf32, #tpu.memory_space<vmem>>, vector<16xf32>,
        %parallel_loop3A_257 = arith.constant 7 : i32
        %parallel_loop3A_258 = vector.broadcast %parallel_loop3A_257 : i32 to vector<16xi32>
        %parallel_loop3A_259 = tpu.vector_load_idx %arg8[%parallel_loop3A_258, %parallel_loop3A_207] : memref<8x2048xf32, #tpu.memory_space<vmem>>[vector<16xi32>, vector<16xi32>], vector<16xf32>,
        %parallel_loop3A_260 = arith.constant 7 : i32
        %parallel_loop3A_261 = arith.index_cast %parallel_loop3A_260 : i32 to index
        %parallel_loop3A_262 = arith.index_cast %parallel_loop3A_205 : i32 to index
        %parallel_loop3A_263 = tpu.vector_load %arg11[%parallel_loop3A_261, %parallel_loop3A_262] {strides = array<i32>} : memref<8x2048xf32, #tpu.memory_space<vmem>>, vector<16xf32>,
        tpu.vector_store %arg11[%parallel_loop3A_261, %parallel_loop3A_262], %parallel_loop3A_259 {strides = array<i32>} : memref<8x2048xf32, #tpu.memory_space<vmem>>, vector<16xf32>,
      } {sc.loop_unroll_factor = 4 : i64, sc.parallel_access}
      %add3A_189 = arith.addi %mul3A_2, %add3A_173 : i32
      %mul3A_190 = arith.constant 8 : i32
      %mul3A_191 = arith.muli %add3A_189, %mul3A_190 : i32
      %dma_start3A_192 = arith.constant 0 : i32
      %dma_start3A_193 = tpu.memref_slice %arg4[%mul3A_191, %dma_start3A_192] : memref<8192x2048xf32, #tpu.memory_space<hbm>> -> memref<8x2048xf32, #tpu.memory_space<hbm>>
      %dma_start3A_194 = arith.constant 0 : i32
      %dma_start3A_195 = tpu.memref_slice %arg4[%mul3A_191, %dma_start3A_194] : memref<8192x2048xf32, #tpu.memory_space<hbm>> -> memref<8x2048xf32, #tpu.memory_space<hbm>>
      tpu.enqueue_dma source(%arg11 : memref<8x2048xf32, #tpu.memory_space<vmem>>) target(%dma_start3A_195 : memref<8x2048xf32, #tpu.memory_space<hbm>>) target_semaphore(%arg17 : memref<!tpu.dma_semaphore, #tpu.memory_space<semaphore_mem>>)
      %add3A_196 = arith.constant 3 : i32
      %add3A_197 = arith.addi %add3A_173, %add3A_196 : i32
      %lt3A_198 = arith.constant 32 : i32
      %lt3A_199 = arith.cmpi slt, %add3A_197, %lt3A_198 : i32
      %convert_element_type3A_200 = arith.extui %lt3A_199 : i1 to i32
      %cond3A_201 = arith.constant 0 : i32
      %cond3A_202 = arith.cmpi ne, %convert_element_type3A_200, %cond3A_201 : i32
      scf.if %cond3A_202 {
        %add3A_203 = arith.constant 3 : i32
        %add3A_204 = arith.addi %add3A_173, %add3A_203 : i32
        %add3A_205 = arith.addi %mul3A_2, %add3A_204 : i32
        %mul3A_206 = arith.constant 8 : i32
        %mul3A_207 = arith.muli %add3A_205, %mul3A_206 : i32
        %dma_start3A_208 = arith.constant 0 : i32
        %dma_start3A_209 = tpu.memref_slice %arg2[%mul3A_207, %dma_start3A_208] : memref<8192x2048xf32, #tpu.memory_space<hbm>> -> memref<8x2048xf32, #tpu.memory_space<hbm>>
        %dma_start3A_210 = arith.constant 0 : i32
        %dma_start3A_211 = tpu.memref_slice %arg2[%mul3A_207, %dma_start3A_210] : memref<8192x2048xf32, #tpu.memory_space<hbm>> -> memref<8x2048xf32, #tpu.memory_space<hbm>>
        tpu.enqueue_dma source(%dma_start3A_211 : memref<8x2048xf32, #tpu.memory_space<hbm>>) target(%arg8 : memref<8x2048xf32, #tpu.memory_space<vmem>>) target_semaphore(%arg14 : memref<!tpu.dma_semaphore, #tpu.memory_space<semaphore_mem>>)
      } else {
      }
    }
    %scan3A_30 = arith.constant 10 : i32
    %add3A_31 = arith.constant 30 : i32
    %add3A_32 = arith.addi %mul3A_2, %add3A_31 : i32
    %mul3A_33 = arith.constant 8 : i32
    %mul3A_34 = arith.muli %add3A_32, %mul3A_33 : i32
    %dma_wait3A = arith.constant 0 : i32
    %dma_wait3A_35 = tpu.memref_slice %arg2[%mul3A_34, %dma_wait3A] : memref<8192x2048xf32, #tpu.memory_space<hbm>> -> memref<8x2048xf32, #tpu.memory_space<hbm>>
    %dma_wait3A_36 = arith.constant 0 : i32
    %dma_wait3A_37 = tpu.memref_slice %arg2[%mul3A_34, %dma_wait3A_36] : memref<8192x2048xf32, #tpu.memory_space<hbm>> -> memref<8x2048xf32, #tpu.memory_space<hbm>>
    tpu.wait_dma2 semaphore(%arg12 : memref<!tpu.dma_semaphore, #tpu.memory_space<semaphore_mem>>) src(%dma_wait3A_37 : memref<8x2048xf32, #tpu.memory_space<hbm>>) dst(%arg6 : memref<8x2048xf32, #tpu.memory_space<vmem>>)
    %add3A_38 = arith.constant 27 : i32
    %add3A_39 = arith.addi %mul3A_2, %add3A_38 : i32
    %mul3A_40 = arith.constant 8 : i32
    %mul3A_41 = arith.muli %add3A_39, %mul3A_40 : i32
    %dma_wait3A_42 = arith.constant 0 : i32
    %dma_wait3A_43 = tpu.memref_slice %arg4[%mul3A_41, %dma_wait3A_42] : memref<8192x2048xf32, #tpu.memory_space<hbm>> -> memref<8x2048xf32, #tpu.memory_space<hbm>>
    %dma_wait3A_44 = arith.constant 0 : i32
    %dma_wait3A_45 = tpu.memref_slice %arg4[%mul3A_41, %dma_wait3A_44] : memref<8192x2048xf32, #tpu.memory_space<hbm>> -> memref<8x2048xf32, #tpu.memory_space<hbm>>
    tpu.wait_dma2 semaphore(%arg15 : memref<!tpu.dma_semaphore, #tpu.memory_space<semaphore_mem>>) src(%arg9 : memref<8x2048xf32, #tpu.memory_space<vmem>>) dst(%dma_wait3A_45 : memref<8x2048xf32, #tpu.memory_space<hbm>>)
    %parallel_loop3A = arith.constant 0 : i32
    %parallel_loop3A_46 = arith.constant 128 : i32
    %parallel_loop3A_47 = arith.constant 1 : i32
    scf.for %parallel_loop3A_107 = %parallel_loop3A to %parallel_loop3A_46 step %parallel_loop3A_47  : i32 {
      %parallel_loop3A_108 = arith.constant 16 : i32
      %parallel_loop3A_109 = arith.muli %parallel_loop3A_107, %parallel_loop3A_108 : i32
      %parallel_loop3A_110 = arith.index_cast %parallel_loop3A_109 : i32 to index
      %parallel_loop3A_111 = tpu.vector_load %arg5[%parallel_loop3A_110] {strides = array<i32>} : memref<2048xi32, #tpu.memory_space<vmem>>, vector<16xi32>,
      %parallel_loop3A_112 = arith.constant 0 : i32
      %parallel_loop3A_113 = vector.broadcast %parallel_loop3A_112 : i32 to vector<16xi32>
      %parallel_loop3A_114 = tpu.vector_load_idx %arg6[%parallel_loop3A_113, %parallel_loop3A_111] : memref<8x2048xf32, #tpu.memory_space<vmem>>[vector<16xi32>, vector<16xi32>], vector<16xf32>,
      %parallel_loop3A_115 = arith.constant 0 : i32
      %parallel_loop3A_116 = arith.index_cast %parallel_loop3A_115 : i32 to index
      %parallel_loop3A_117 = arith.index_cast %parallel_loop3A_109 : i32 to index
      %parallel_loop3A_118 = tpu.vector_load %arg9[%parallel_loop3A_116, %parallel_loop3A_117] {strides = array<i32>} : memref<8x2048xf32, #tpu.memory_space<vmem>>, vector<16xf32>,
      tpu.vector_store %arg9[%parallel_loop3A_116, %parallel_loop3A_117], %parallel_loop3A_114 {strides = array<i32>} : memref<8x2048xf32, #tpu.memory_space<vmem>>, vector<16xf32>,
      %parallel_loop3A_119 = arith.constant 1 : i32
      %parallel_loop3A_120 = vector.broadcast %parallel_loop3A_119 : i32 to vector<16xi32>
      %parallel_loop3A_121 = tpu.vector_load_idx %arg6[%parallel_loop3A_120, %parallel_loop3A_111] : memref<8x2048xf32, #tpu.memory_space<vmem>>[vector<16xi32>, vector<16xi32>], vector<16xf32>,
      %parallel_loop3A_122 = arith.constant 1 : i32
      %parallel_loop3A_123 = arith.index_cast %parallel_loop3A_122 : i32 to index
      %parallel_loop3A_124 = arith.index_cast %parallel_loop3A_109 : i32 to index
      %parallel_loop3A_125 = tpu.vector_load %arg9[%parallel_loop3A_123, %parallel_loop3A_124] {strides = array<i32>} : memref<8x2048xf32, #tpu.memory_space<vmem>>, vector<16xf32>,
      tpu.vector_store %arg9[%parallel_loop3A_123, %parallel_loop3A_124], %parallel_loop3A_121 {strides = array<i32>} : memref<8x2048xf32, #tpu.memory_space<vmem>>, vector<16xf32>,
      %parallel_loop3A_126 = arith.constant 2 : i32
      %parallel_loop3A_127 = vector.broadcast %parallel_loop3A_126 : i32 to vector<16xi32>
      %parallel_loop3A_128 = tpu.vector_load_idx %arg6[%parallel_loop3A_127, %parallel_loop3A_111] : memref<8x2048xf32, #tpu.memory_space<vmem>>[vector<16xi32>, vector<16xi32>], vector<16xf32>,
      %parallel_loop3A_129 = arith.constant 2 : i32
      %parallel_loop3A_130 = arith.index_cast %parallel_loop3A_129 : i32 to index
      %parallel_loop3A_131 = arith.index_cast %parallel_loop3A_109 : i32 to index
      %parallel_loop3A_132 = tpu.vector_load %arg9[%parallel_loop3A_130, %parallel_loop3A_131] {strides = array<i32>} : memref<8x2048xf32, #tpu.memory_space<vmem>>, vector<16xf32>,
      tpu.vector_store %arg9[%parallel_loop3A_130, %parallel_loop3A_131], %parallel_loop3A_128 {strides = array<i32>} : memref<8x2048xf32, #tpu.memory_space<vmem>>, vector<16xf32>,
      %parallel_loop3A_133 = arith.constant 3 : i32
      %parallel_loop3A_134 = vector.broadcast %parallel_loop3A_133 : i32 to vector<16xi32>
      %parallel_loop3A_135 = tpu.vector_load_idx %arg6[%parallel_loop3A_134, %parallel_loop3A_111] : memref<8x2048xf32, #tpu.memory_space<vmem>>[vector<16xi32>, vector<16xi32>], vector<16xf32>,
      %parallel_loop3A_136 = arith.constant 3 : i32
      %parallel_loop3A_137 = arith.index_cast %parallel_loop3A_136 : i32 to index
      %parallel_loop3A_138 = arith.index_cast %parallel_loop3A_109 : i32 to index
      %parallel_loop3A_139 = tpu.vector_load %arg9[%parallel_loop3A_137, %parallel_loop3A_138] {strides = array<i32>} : memref<8x2048xf32, #tpu.memory_space<vmem>>, vector<16xf32>,
      tpu.vector_store %arg9[%parallel_loop3A_137, %parallel_loop3A_138], %parallel_loop3A_135 {strides = array<i32>} : memref<8x2048xf32, #tpu.memory_space<vmem>>, vector<16xf32>,
      %parallel_loop3A_140 = arith.constant 4 : i32
      %parallel_loop3A_141 = vector.broadcast %parallel_loop3A_140 : i32 to vector<16xi32>
      %parallel_loop3A_142 = tpu.vector_load_idx %arg6[%parallel_loop3A_141, %parallel_loop3A_111] : memref<8x2048xf32, #tpu.memory_space<vmem>>[vector<16xi32>, vector<16xi32>], vector<16xf32>,
      %parallel_loop3A_143 = arith.constant 4 : i32
      %parallel_loop3A_144 = arith.index_cast %parallel_loop3A_143 : i32 to index
      %parallel_loop3A_145 = arith.index_cast %parallel_loop3A_109 : i32 to index
      %parallel_loop3A_146 = tpu.vector_load %arg9[%parallel_loop3A_144, %parallel_loop3A_145] {strides = array<i32>} : memref<8x2048xf32, #tpu.memory_space<vmem>>, vector<16xf32>,
      tpu.vector_store %arg9[%parallel_loop3A_144, %parallel_loop3A_145], %parallel_loop3A_142 {strides = array<i32>} : memref<8x2048xf32, #tpu.memory_space<vmem>>, vector<16xf32>,
      %parallel_loop3A_147 = arith.constant 5 : i32
      %parallel_loop3A_148 = vector.broadcast %parallel_loop3A_147 : i32 to vector<16xi32>
      %parallel_loop3A_149 = tpu.vector_load_idx %arg6[%parallel_loop3A_148, %parallel_loop3A_111] : memref<8x2048xf32, #tpu.memory_space<vmem>>[vector<16xi32>, vector<16xi32>], vector<16xf32>,
      %parallel_loop3A_150 = arith.constant 5 : i32
      %parallel_loop3A_151 = arith.index_cast %parallel_loop3A_150 : i32 to index
      %parallel_loop3A_152 = arith.index_cast %parallel_loop3A_109 : i32 to index
      %parallel_loop3A_153 = tpu.vector_load %arg9[%parallel_loop3A_151, %parallel_loop3A_152] {strides = array<i32>} : memref<8x2048xf32, #tpu.memory_space<vmem>>, vector<16xf32>,
      tpu.vector_store %arg9[%parallel_loop3A_151, %parallel_loop3A_152], %parallel_loop3A_149 {strides = array<i32>} : memref<8x2048xf32, #tpu.memory_space<vmem>>, vector<16xf32>,
      %parallel_loop3A_154 = arith.constant 6 : i32
      %parallel_loop3A_155 = vector.broadcast %parallel_loop3A_154 : i32 to vector<16xi32>
      %parallel_loop3A_156 = tpu.vector_load_idx %arg6[%parallel_loop3A_155, %parallel_loop3A_111] : memref<8x2048xf32, #tpu.memory_space<vmem>>[vector<16xi32>, vector<16xi32>], vector<16xf32>,
      %parallel_loop3A_157 = arith.constant 6 : i32
      %parallel_loop3A_158 = arith.index_cast %parallel_loop3A_157 : i32 to index
      %parallel_loop3A_159 = arith.index_cast %parallel_loop3A_109 : i32 to index
      %parallel_loop3A_160 = tpu.vector_load %arg9[%parallel_loop3A_158, %parallel_loop3A_159] {strides = array<i32>} : memref<8x2048xf32, #tpu.memory_space<vmem>>, vector<16xf32>,
      tpu.vector_store %arg9[%parallel_loop3A_158, %parallel_loop3A_159], %parallel_loop3A_156 {strides = array<i32>} : memref<8x2048xf32, #tpu.memory_space<vmem>>, vector<16xf32>,
      %parallel_loop3A_161 = arith.constant 7 : i32
      %parallel_loop3A_162 = vector.broadcast %parallel_loop3A_161 : i32 to vector<16xi32>
      %parallel_loop3A_163 = tpu.vector_load_idx %arg6[%parallel_loop3A_162, %parallel_loop3A_111] : memref<8x2048xf32, #tpu.memory_space<vmem>>[vector<16xi32>, vector<16xi32>], vector<16xf32>,
      %parallel_loop3A_164 = arith.constant 7 : i32
      %parallel_loop3A_165 = arith.index_cast %parallel_loop3A_164 : i32 to index
      %parallel_loop3A_166 = arith.index_cast %parallel_loop3A_109 : i32 to index
      %parallel_loop3A_167 = tpu.vector_load %arg9[%parallel_loop3A_165, %parallel_loop3A_166] {strides = array<i32>} : memref<8x2048xf32, #tpu.memory_space<vmem>>, vector<16xf32>,
      tpu.vector_store %arg9[%parallel_loop3A_165, %parallel_loop3A_166], %parallel_loop3A_163 {strides = array<i32>} : memref<8x2048xf32, #tpu.memory_space<vmem>>, vector<16xf32>,
    } {sc.loop_unroll_factor = 4 : i64, sc.parallel_access}
    %add3A_48 = arith.constant 30 : i32
    %add3A_49 = arith.addi %mul3A_2, %add3A_48 : i32
    %mul3A_50 = arith.constant 8 : i32
    %mul3A_51 = arith.muli %add3A_49, %mul3A_50 : i32
    %dma_start3A_52 = arith.constant 0 : i32
    %dma_start3A_53 = tpu.memref_slice %arg4[%mul3A_51, %dma_start3A_52] : memref<8192x2048xf32, #tpu.memory_space<hbm>> -> memref<8x2048xf32, #tpu.memory_space<hbm>>
    %dma_start3A_54 = arith.constant 0 : i32
    %dma_start3A_55 = tpu.memref_slice %arg4[%mul3A_51, %dma_start3A_54] : memref<8192x2048xf32, #tpu.memory_space<hbm>> -> memref<8x2048xf32, #tpu.memory_space<hbm>>
    tpu.enqueue_dma source(%arg9 : memref<8x2048xf32, #tpu.memory_space<vmem>>) target(%dma_start3A_55 : memref<8x2048xf32, #tpu.memory_space<hbm>>) target_semaphore(%arg15 : memref<!tpu.dma_semaphore, #tpu.memory_space<semaphore_mem>>)
    %add3A_56 = arith.constant 31 : i32
    %add3A_57 = arith.addi %mul3A_2, %add3A_56 : i32
    %mul3A_58 = arith.constant 8 : i32
    %mul3A_59 = arith.muli %add3A_57, %mul3A_58 : i32
    %dma_wait3A_60 = arith.constant 0 : i32
    %dma_wait3A_61 = tpu.memref_slice %arg2[%mul3A_59, %dma_wait3A_60] : memref<8192x2048xf32, #tpu.memory_space<hbm>> -> memref<8x2048xf32, #tpu.memory_space<hbm>>
    %dma_wait3A_62 = arith.constant 0 : i32
    %dma_wait3A_63 = tpu.memref_slice %arg2[%mul3A_59, %dma_wait3A_62] : memref<8192x2048xf32, #tpu.memory_space<hbm>> -> memref<8x2048xf32, #tpu.memory_space<hbm>>
    tpu.wait_dma2 semaphore(%arg13 : memref<!tpu.dma_semaphore, #tpu.memory_space<semaphore_mem>>) src(%dma_wait3A_63 : memref<8x2048xf32, #tpu.memory_space<hbm>>) dst(%arg7 : memref<8x2048xf32, #tpu.memory_space<vmem>>)
    %add3A_64 = arith.constant 28 : i32
    %add3A_65 = arith.addi %mul3A_2, %add3A_64 : i32
    %mul3A_66 = arith.constant 8 : i32
    %mul3A_67 = arith.muli %add3A_65, %mul3A_66 : i32
    %dma_wait3A_68 = arith.constant 0 : i32
    %dma_wait3A_69 = tpu.memref_slice %arg4[%mul3A_67, %dma_wait3A_68] : memref<8192x2048xf32, #tpu.memory_space<hbm>> -> memref<8x2048xf32, #tpu.memory_space<hbm>>
    %dma_wait3A_70 = arith.constant 0 : i32
    %dma_wait3A_71 = tpu.memref_slice %arg4[%mul3A_67, %dma_wait3A_70] : memref<8192x2048xf32, #tpu.memory_space<hbm>> -> memref<8x2048xf32, #tpu.memory_space<hbm>>
    tpu.wait_dma2 semaphore(%arg16 : memref<!tpu.dma_semaphore, #tpu.memory_space<semaphore_mem>>) src(%arg10 : memref<8x2048xf32, #tpu.memory_space<vmem>>) dst(%dma_wait3A_71 : memref<8x2048xf32, #tpu.memory_space<hbm>>)
    %parallel_loop3A_72 = arith.constant 0 : i32
    %parallel_loop3A_73 = arith.constant 128 : i32
    %parallel_loop3A_74 = arith.constant 1 : i32
    scf.for %parallel_loop3A_107 = %parallel_loop3A_72 to %parallel_loop3A_73 step %parallel_loop3A_74  : i32 {
      %parallel_loop3A_108 = arith.constant 16 : i32
      %parallel_loop3A_109 = arith.muli %parallel_loop3A_107, %parallel_loop3A_108 : i32
      %parallel_loop3A_110 = arith.index_cast %parallel_loop3A_109 : i32 to index
      %parallel_loop3A_111 = tpu.vector_load %arg5[%parallel_loop3A_110] {strides = array<i32>} : memref<2048xi32, #tpu.memory_space<vmem>>, vector<16xi32>,
      %parallel_loop3A_112 = arith.constant 0 : i32
      %parallel_loop3A_113 = vector.broadcast %parallel_loop3A_112 : i32 to vector<16xi32>
      %parallel_loop3A_114 = tpu.vector_load_idx %arg7[%parallel_loop3A_113, %parallel_loop3A_111] : memref<8x2048xf32, #tpu.memory_space<vmem>>[vector<16xi32>, vector<16xi32>], vector<16xf32>,
      %parallel_loop3A_115 = arith.constant 0 : i32
      %parallel_loop3A_116 = arith.index_cast %parallel_loop3A_115 : i32 to index
      %parallel_loop3A_117 = arith.index_cast %parallel_loop3A_109 : i32 to index
      %parallel_loop3A_118 = tpu.vector_load %arg10[%parallel_loop3A_116, %parallel_loop3A_117] {strides = array<i32>} : memref<8x2048xf32, #tpu.memory_space<vmem>>, vector<16xf32>,
      tpu.vector_store %arg10[%parallel_loop3A_116, %parallel_loop3A_117], %parallel_loop3A_114 {strides = array<i32>} : memref<8x2048xf32, #tpu.memory_space<vmem>>, vector<16xf32>,
      %parallel_loop3A_119 = arith.constant 1 : i32
      %parallel_loop3A_120 = vector.broadcast %parallel_loop3A_119 : i32 to vector<16xi32>
      %parallel_loop3A_121 = tpu.vector_load_idx %arg7[%parallel_loop3A_120, %parallel_loop3A_111] : memref<8x2048xf32, #tpu.memory_space<vmem>>[vector<16xi32>, vector<16xi32>], vector<16xf32>,
      %parallel_loop3A_122 = arith.constant 1 : i32
      %parallel_loop3A_123 = arith.index_cast %parallel_loop3A_122 : i32 to index
      %parallel_loop3A_124 = arith.index_cast %parallel_loop3A_109 : i32 to index
      %parallel_loop3A_125 = tpu.vector_load %arg10[%parallel_loop3A_123, %parallel_loop3A_124] {strides = array<i32>} : memref<8x2048xf32, #tpu.memory_space<vmem>>, vector<16xf32>,
      tpu.vector_store %arg10[%parallel_loop3A_123, %parallel_loop3A_124], %parallel_loop3A_121 {strides = array<i32>} : memref<8x2048xf32, #tpu.memory_space<vmem>>, vector<16xf32>,
      %parallel_loop3A_126 = arith.constant 2 : i32
      %parallel_loop3A_127 = vector.broadcast %parallel_loop3A_126 : i32 to vector<16xi32>
      %parallel_loop3A_128 = tpu.vector_load_idx %arg7[%parallel_loop3A_127, %parallel_loop3A_111] : memref<8x2048xf32, #tpu.memory_space<vmem>>[vector<16xi32>, vector<16xi32>], vector<16xf32>,
      %parallel_loop3A_129 = arith.constant 2 : i32
      %parallel_loop3A_130 = arith.index_cast %parallel_loop3A_129 : i32 to index
      %parallel_loop3A_131 = arith.index_cast %parallel_loop3A_109 : i32 to index
      %parallel_loop3A_132 = tpu.vector_load %arg10[%parallel_loop3A_130, %parallel_loop3A_131] {strides = array<i32>} : memref<8x2048xf32, #tpu.memory_space<vmem>>, vector<16xf32>,
      tpu.vector_store %arg10[%parallel_loop3A_130, %parallel_loop3A_131], %parallel_loop3A_128 {strides = array<i32>} : memref<8x2048xf32, #tpu.memory_space<vmem>>, vector<16xf32>,
      %parallel_loop3A_133 = arith.constant 3 : i32
      %parallel_loop3A_134 = vector.broadcast %parallel_loop3A_133 : i32 to vector<16xi32>
      %parallel_loop3A_135 = tpu.vector_load_idx %arg7[%parallel_loop3A_134, %parallel_loop3A_111] : memref<8x2048xf32, #tpu.memory_space<vmem>>[vector<16xi32>, vector<16xi32>], vector<16xf32>,
      %parallel_loop3A_136 = arith.constant 3 : i32
      %parallel_loop3A_137 = arith.index_cast %parallel_loop3A_136 : i32 to index
      %parallel_loop3A_138 = arith.index_cast %parallel_loop3A_109 : i32 to index
      %parallel_loop3A_139 = tpu.vector_load %arg10[%parallel_loop3A_137, %parallel_loop3A_138] {strides = array<i32>} : memref<8x2048xf32, #tpu.memory_space<vmem>>, vector<16xf32>,
      tpu.vector_store %arg10[%parallel_loop3A_137, %parallel_loop3A_138], %parallel_loop3A_135 {strides = array<i32>} : memref<8x2048xf32, #tpu.memory_space<vmem>>, vector<16xf32>,
      %parallel_loop3A_140 = arith.constant 4 : i32
      %parallel_loop3A_141 = vector.broadcast %parallel_loop3A_140 : i32 to vector<16xi32>
      %parallel_loop3A_142 = tpu.vector_load_idx %arg7[%parallel_loop3A_141, %parallel_loop3A_111] : memref<8x2048xf32, #tpu.memory_space<vmem>>[vector<16xi32>, vector<16xi32>], vector<16xf32>,
      %parallel_loop3A_143 = arith.constant 4 : i32
      %parallel_loop3A_144 = arith.index_cast %parallel_loop3A_143 : i32 to index
      %parallel_loop3A_145 = arith.index_cast %parallel_loop3A_109 : i32 to index
      %parallel_loop3A_146 = tpu.vector_load %arg10[%parallel_loop3A_144, %parallel_loop3A_145] {strides = array<i32>} : memref<8x2048xf32, #tpu.memory_space<vmem>>, vector<16xf32>,
      tpu.vector_store %arg10[%parallel_loop3A_144, %parallel_loop3A_145], %parallel_loop3A_142 {strides = array<i32>} : memref<8x2048xf32, #tpu.memory_space<vmem>>, vector<16xf32>,
      %parallel_loop3A_147 = arith.constant 5 : i32
      %parallel_loop3A_148 = vector.broadcast %parallel_loop3A_147 : i32 to vector<16xi32>
      %parallel_loop3A_149 = tpu.vector_load_idx %arg7[%parallel_loop3A_148, %parallel_loop3A_111] : memref<8x2048xf32, #tpu.memory_space<vmem>>[vector<16xi32>, vector<16xi32>], vector<16xf32>,
      %parallel_loop3A_150 = arith.constant 5 : i32
      %parallel_loop3A_151 = arith.index_cast %parallel_loop3A_150 : i32 to index
      %parallel_loop3A_152 = arith.index_cast %parallel_loop3A_109 : i32 to index
      %parallel_loop3A_153 = tpu.vector_load %arg10[%parallel_loop3A_151, %parallel_loop3A_152] {strides = array<i32>} : memref<8x2048xf32, #tpu.memory_space<vmem>>, vector<16xf32>,
      tpu.vector_store %arg10[%parallel_loop3A_151, %parallel_loop3A_152], %parallel_loop3A_149 {strides = array<i32>} : memref<8x2048xf32, #tpu.memory_space<vmem>>, vector<16xf32>,
      %parallel_loop3A_154 = arith.constant 6 : i32
      %parallel_loop3A_155 = vector.broadcast %parallel_loop3A_154 : i32 to vector<16xi32>
      %parallel_loop3A_156 = tpu.vector_load_idx %arg7[%parallel_loop3A_155, %parallel_loop3A_111] : memref<8x2048xf32, #tpu.memory_space<vmem>>[vector<16xi32>, vector<16xi32>], vector<16xf32>,
      %parallel_loop3A_157 = arith.constant 6 : i32
      %parallel_loop3A_158 = arith.index_cast %parallel_loop3A_157 : i32 to index
      %parallel_loop3A_159 = arith.index_cast %parallel_loop3A_109 : i32 to index
      %parallel_loop3A_160 = tpu.vector_load %arg10[%parallel_loop3A_158, %parallel_loop3A_159] {strides = array<i32>} : memref<8x2048xf32, #tpu.memory_space<vmem>>, vector<16xf32>,
      tpu.vector_store %arg10[%parallel_loop3A_158, %parallel_loop3A_159], %parallel_loop3A_156 {strides = array<i32>} : memref<8x2048xf32, #tpu.memory_space<vmem>>, vector<16xf32>,
      %parallel_loop3A_161 = arith.constant 7 : i32
      %parallel_loop3A_162 = vector.broadcast %parallel_loop3A_161 : i32 to vector<16xi32>
      %parallel_loop3A_163 = tpu.vector_load_idx %arg7[%parallel_loop3A_162, %parallel_loop3A_111] : memref<8x2048xf32, #tpu.memory_space<vmem>>[vector<16xi32>, vector<16xi32>], vector<16xf32>,
      %parallel_loop3A_164 = arith.constant 7 : i32
      %parallel_loop3A_165 = arith.index_cast %parallel_loop3A_164 : i32 to index
      %parallel_loop3A_166 = arith.index_cast %parallel_loop3A_109 : i32 to index
      %parallel_loop3A_167 = tpu.vector_load %arg10[%parallel_loop3A_165, %parallel_loop3A_166] {strides = array<i32>} : memref<8x2048xf32, #tpu.memory_space<vmem>>, vector<16xf32>,
      tpu.vector_store %arg10[%parallel_loop3A_165, %parallel_loop3A_166], %parallel_loop3A_163 {strides = array<i32>} : memref<8x2048xf32, #tpu.memory_space<vmem>>, vector<16xf32>,
    } {sc.loop_unroll_factor = 4 : i64, sc.parallel_access}
    %add3A_75 = arith.constant 31 : i32
    %add3A_76 = arith.addi %mul3A_2, %add3A_75 : i32
    %mul3A_77 = arith.constant 8 : i32
    %mul3A_78 = arith.muli %add3A_76, %mul3A_77 : i32
    %dma_start3A_79 = arith.constant 0 : i32
    %dma_start3A_80 = tpu.memref_slice %arg4[%mul3A_78, %dma_start3A_79] : memref<8192x2048xf32, #tpu.memory_space<hbm>> -> memref<8x2048xf32, #tpu.memory_space<hbm>>
    %dma_start3A_81 = arith.constant 0 : i32
    %dma_start3A_82 = tpu.memref_slice %arg4[%mul3A_78, %dma_start3A_81] : memref<8192x2048xf32, #tpu.memory_space<hbm>> -> memref<8x2048xf32, #tpu.memory_space<hbm>>
    tpu.enqueue_dma source(%arg10 : memref<8x2048xf32, #tpu.memory_space<vmem>>) target(%dma_start3A_82 : memref<8x2048xf32, #tpu.memory_space<hbm>>) target_semaphore(%arg16 : memref<!tpu.dma_semaphore, #tpu.memory_space<semaphore_mem>>)
    %add3A_83 = arith.constant 29 : i32
    %add3A_84 = arith.addi %mul3A_2, %add3A_83 : i32
    %mul3A_85 = arith.constant 8 : i32
    %mul3A_86 = arith.muli %add3A_84, %mul3A_85 : i32
    %dma_wait3A_87 = arith.constant 0 : i32
    %dma_wait3A_88 = tpu.memref_slice %arg4[%mul3A_86, %dma_wait3A_87] : memref<8192x2048xf32, #tpu.memory_space<hbm>> -> memref<8x2048xf32, #tpu.memory_space<hbm>>
    %dma_wait3A_89 = arith.constant 0 : i32
    %dma_wait3A_90 = tpu.memref_slice %arg4[%mul3A_86, %dma_wait3A_89] : memref<8192x2048xf32, #tpu.memory_space<hbm>> -> memref<8x2048xf32, #tpu.memory_space<hbm>>
    tpu.wait_dma2 semaphore(%arg17 : memref<!tpu.dma_semaphore, #tpu.memory_space<semaphore_mem>>) src(%arg11 : memref<8x2048xf32, #tpu.memory_space<vmem>>) dst(%dma_wait3A_90 : memref<8x2048xf32, #tpu.memory_space<hbm>>)
    %add3A_91 = arith.constant 30 : i32
    %add3A_92 = arith.addi %mul3A_2, %add3A_91 : i32
    %mul3A_93 = arith.constant 8 : i32
    %mul3A_94 = arith.muli %add3A_92, %mul3A_93 : i32
    %dma_wait3A_95 = arith.constant 0 : i32
    %dma_wait3A_96 = tpu.memref_slice %arg4[%mul3A_94, %dma_wait3A_95] : memref<8192x2048xf32, #tpu.memory_space<hbm>> -> memref<8x2048xf32, #tpu.memory_space<hbm>>
    %dma_wait3A_97 = arith.constant 0 : i32
    %dma_wait3A_98 = tpu.memref_slice %arg4[%mul3A_94, %dma_wait3A_97] : memref<8192x2048xf32, #tpu.memory_space<hbm>> -> memref<8x2048xf32, #tpu.memory_space<hbm>>
    tpu.wait_dma2 semaphore(%arg15 : memref<!tpu.dma_semaphore, #tpu.memory_space<semaphore_mem>>) src(%arg9 : memref<8x2048xf32, #tpu.memory_space<vmem>>) dst(%dma_wait3A_98 : memref<8x2048xf32, #tpu.memory_space<hbm>>)
    %add3A_99 = arith.constant 31 : i32
    %add3A_100 = arith.addi %mul3A_2, %add3A_99 : i32
    %mul3A_101 = arith.constant 8 : i32
    %mul3A_102 = arith.muli %add3A_100, %mul3A_101 : i32
    %dma_wait3A_103 = arith.constant 0 : i32
    %dma_wait3A_104 = tpu.memref_slice %arg4[%mul3A_102, %dma_wait3A_103] : memref<8192x2048xf32, #tpu.memory_space<hbm>> -> memref<8x2048xf32, #tpu.memory_space<hbm>>
    %dma_wait3A_105 = arith.constant 0 : i32
    %dma_wait3A_106 = tpu.memref_slice %arg4[%mul3A_102, %dma_wait3A_105] : memref<8192x2048xf32, #tpu.memory_space<hbm>> -> memref<8x2048xf32, #tpu.memory_space<hbm>>
    tpu.wait_dma2 semaphore(%arg16 : memref<!tpu.dma_semaphore, #tpu.memory_space<semaphore_mem>>) src(%arg10 : memref<8x2048xf32, #tpu.memory_space<vmem>>) dst(%dma_wait3A_106 : memref<8x2048xf32, #tpu.memory_space<hbm>>)
    return
  }
}

</mosaic_0001>

<sc_bundles>
// kernel: kernel.3.cloned.1.call-start
scs
__scs_entry_jumppad:
0x0: {  	(pc) =	sbr.rel $0x88, $3  }
0x1: {  	(tag) =	ssettag $0x0;
	lr =	simm.s32 $0x1  }
0x2: {  	[smem:$0x3F9F] =	sst lr;
	_ =	strace $0xD0000000  }
0x3: {  	_ = 	snop  }
0x4: {  	_ = 	snop  }
0x5: {  	_ = 	snop  }
0x6: {  	_ = 	snop  }
0x7: {  	_ = 	snop  }
__scs_overlays_trampoline_lowered:
0x8: {  	[smem:$0x3FAE] =	sst s0  }
0x9: {  	[smem:$0x3FAF] =	sst s1  }
0xa: {  	[smem:$0x3FB0] =	sst s2  }
0xb: {  	[smem:$0x3FB1] =	sst s3  }
0xc: {  	[smem:$0x3FB2] =	sst s4  }
0xd: {  	[smem:$0x3FB3] =	sst s5  }
0xe: {  	[smem:$0x3FB4] =	sst s6  }
0xf: {  	[smem:$0x3FB5] =	sst s7  }
0x10: {  	[smem:$0x3FB6] =	sst s8  }
0x11: {  	[smem:$0x3FB7] =	sst s9;
	s0 =	simm.s32 @!p0 $0x0  }
0x12: {  	s1 =	sld [smem:$0x3F9D];
	s0 =	simm.s32 @p0 $0x1  }
0x13: {  	[smem:$0x3FB8] =	sst s0;
	s0 =	simm.s32 @!p1 $0x0  }
0x14: {  	s2 =	sld [smem:$0x3F9C];
	s0 =	simm.s32 @p1 $0x1  }
0x15: {  	[smem:$0x3FB9] =	sst s0;
	s0 =	simm.s32 @!p2 $0x0  }
0x16: {  	s3 =	sld [smem:$0x3FDB];
	s0 =	simm.s32 @p2 $0x1  }
0x17: {  	s4 =	simm.s32 $0x1BF5;
	[smem:$0x3FBB] =	sst s0  }
0x18: {  	s0 =	sld [smem:$0x3F9E];
	_ =	swait.ge [sflag:s4], $0x0  }
0x19: {  	s7 =	sld [smem:$0x3F9F]  }
0x1a: {  	s8 =	sadd.s32 $0xFFFFE003, lr  }
0x1b: {  	s9 =	sadd.s32 $0xFFFFFEF7, lr;
	s5 =	simm.s32 $0xFFFFFFFF;
	p2 =	slt.u32 s8, $0xFFFFF086  }
0x1c: {  	p1 =	slt.u32 s9, $0xF7A;
	s5 =	simm.s32 @!p2 $0x0  }
0x1d: {  	s5 =	simm.s32 @p1 $0x1;
	p0 =	seq.s32 s7, s2  }
0x1e: {  	s7 =	smul.u32 @!p0 $0xF7A, s2;
	p2 =	seq.s32 @!p0 s5, $0x0  }
0x1f: {  	s9 =	smul.u32 $0xF7A, s1;
	s8 =	simm.s32 @!p0 $0x1BF5;
	p2 =	por !p2, p0  }
0x20: {  	[sflag:s8] =	ssyncset.s32 @!p0 $0xFFFFF086;
	s6 =	sadd.s32 @!p0 s3, s7;
	s7 =	simm.s32 @!p0 $0x108  }
0x21: {  	s3 =	sadd.s32 s3, s9;
	s6 =	sadd.s32 @!p0 $0x88, s6;
	s7 =	simm.s32 @p2 $0x1082  }
0x22: {  	[simem:s7], [sflag:s8] =	dma.local @!p0 [hbm:s6], $0xF7A  }
0x23: {  	s9 =	sor.u32 $0xD0000000, s2;
	s6 =	simm.s32 $0x108;
	_ =	swait.ge @!p0 [sflag:s8], $0x0  }
0x24: {  	s3 =	sadd.s32 $0x88, s3;
	s6 =	simm.s32 @!p1 $0x1082;
	[sflag:s4] =	ssyncset.s32 $0xFFFFF086  }
0x25: {  	[simem:s6], [sflag:s4] =	dma.local [hbm:s3], $0xF7A  }
0x26: {  	[smem:$0x3F9F] =	sst s1;
	(tag) =	ssettag s2;
	_ =	strace s9  }
0x27: {  	s1 =	sld [smem:$0x3FAF]  }
0x28: {  	s2 =	sld [smem:$0x3FB0]  }
0x29: {  	s4 =	sld [smem:$0x3FB2]  }
0x2a: {  	p0 =	seq.s32 s5, $0x0;
	s5 =	sld [smem:$0x3FB3]  }
0x2b: {  	s6 =	sld [smem:$0x3FB4]  }
0x2c: {  	s7 =	sld [smem:$0x3FB5]  }
0x2d: {  	s3 =	simm.s32 $0x108;
	s8 =	sld [smem:$0x3FB6]  }
0x2e: {  	s3 =	simm.s32 @!p0 $0x1082;
	s9 =	sld [smem:$0x3FB7]  }
0x2f: {  	lr =	sadd.s32 s0, s3;
	s0 =	sld [smem:$0x3FAE]  }
0x30: {  	s3 =	sld [smem:$0x3FB1]  }
0x31: {  	[smem:$0x3FBA] =	sst s10  }
0x32: {  	s10 =	sld [smem:$0x3FB8];
	_ =	sdelay $0x3  }
0x33: {  	p0 =	seq.s32 s10, $0x1;
	s10 =	sld [smem:$0x3FBA];
	_ =	sdelay $0x3  }
0x34: {  	[smem:$0x3FBA] =	sst s10  }
0x35: {  	s10 =	sld [smem:$0x3FB9];
	_ =	sdelay $0x3  }
0x36: {  	p1 =	seq.s32 s10, $0x1;
	s10 =	sld [smem:$0x3FBA];
	_ =	sdelay $0x3  }
0x37: {  	[smem:$0x3FBA] =	sst s10  }
0x38: {  	s10 =	sld [smem:$0x3FBB]  }
0x39: {  	_ = 	snop;
	(pc) =	sbr.ind lr, $3  }
0x3a: {  	_ = 	snop  }
0x3b: {  	_ = 	snop  }
0x3c: {  	p2 =	seq.s32 s10, $0x1;
	s10 =	sld [smem:$0x3FBA]  }
0x3d: {  	_ =	shalt  }
0x3e: {  	_ =	shalt  }
0x3f: {  	_ =	shalt  }
0x40: {  	_ =	shalt  }
0x41: {  	_ =	shalt  }
0x42: {  	_ =	shalt  }
0x43: {  	_ =	shalt  }
0x44: {  	_ =	shalt  }
0x45: {  	_ =	shalt  }
0x46: {  	_ =	shalt  }
0x47: {  	_ =	shalt  }
0x48: {  	_ =	shalt  }
0x49: {  	_ =	shalt  }
0x4a: {  	_ =	shalt  }
0x4b: {  	_ =	shalt  }
0x4c: {  	_ =	shalt  }
0x4d: {  	_ =	shalt  }
0x4e: {  	_ =	shalt  }
0x4f: {  	_ =	shalt  }
0x50: {  	_ =	shalt  }
0x51: {  	_ =	shalt  }
0x52: {  	_ =	shalt  }
0x53: {  	_ =	shalt  }
0x54: {  	_ =	shalt  }
0x55: {  	_ =	shalt  }
0x56: {  	_ =	shalt  }
0x57: {  	_ =	shalt  }
0x58: {  	_ =	shalt  }
0x59: {  	_ =	shalt  }
0x5a: {  	_ =	shalt  }
0x5b: {  	_ =	shalt  }
0x5c: {  	_ =	shalt  }
0x5d: {  	_ =	shalt  }
0x5e: {  	_ =	shalt  }
0x5f: {  	_ =	shalt  }
0x60: {  	_ =	shalt  }
0x61: {  	_ =	shalt  }
0x62: {  	_ =	shalt  }
0x63: {  	_ =	shalt  }
0x64: {  	_ =	shalt  }
0x65: {  	_ =	shalt  }
0x66: {  	_ =	shalt  }
0x67: {  	_ =	shalt  }
0x68: {  	_ =	shalt  }
0x69: {  	_ =	shalt  }
0x6a: {  	_ =	shalt  }
0x6b: {  	_ =	shalt  }
0x6c: {  	_ =	shalt  }
0x6d: {  	_ =	shalt  }
0x6e: {  	_ =	shalt  }
0x6f: {  	_ =	shalt  }
0x70: {  	_ =	shalt  }
0x71: {  	_ =	shalt  }
0x72: {  	_ =	shalt  }
0x73: {  	_ =	shalt  }
0x74: {  	_ =	shalt  }
0x75: {  	_ =	shalt  }
0x76: {  	_ =	shalt  }
0x77: {  	_ =	shalt  }
0x78: {  	_ =	shalt  }
0x79: {  	_ =	shalt  }
0x7a: {  	_ =	shalt  }
0x7b: {  	_ =	shalt  }
0x7c: {  	_ =	shalt  }
0x7d: {  	_ =	shalt  }
0x7e: {  	_ =	shalt  }
0x7f: {  	_ =	shalt  }
0x80: {  	_ =	shalt  }
0x81: {  	_ =	shalt  }
0x82: {  	_ =	shalt  }
0x83: {  	_ =	shalt  }
0x84: {  	_ =	shalt  }
0x85: {  	_ =	shalt  }
0x86: {  	_ =	shalt  }
0x87: {  	_ =	shalt  }
.Lfunc_end0:
.L_simem_size_0:
called_computation_lowered:
.L_overlay_start_0:
0x88: {  	s2 =	sld [smem:$0x3FD9]  }
0x89: {  	s3 =	sld [smem:$0x3FFE];
	_ =	sdelay $0x1  }
0x8a: {  	s1 =	srdreg.scid  }
0x8b: {  	s0 =	sand.u32 $0x1, s1  }
0x8c: {  	s15 =	sshll.u32 s0, $0xA;
	s2 =	sadd.s32 s3, s2  }
0x8d: {  	s2 =	sadd.s32 s2, s15  }
0x8e: {  	[smem:$0x3FC6] =	sst s2  }
0x8f: {  	_ = 	snop  }
0x90: {  	s2 =	sld [smem:$0x3FD0];
	_ =	sdelay $0x1  }
0x91: {  	s16 =	sld [smem:$0x3FC9]  }
0x92: {  	s5 =	simm.s32 $0xA;
	s6 =	simm.s32 $0x10;
	s4 =	sld [smem:$0x3FC8]  }
0x93: {  	[smem:s6], [sflag:s5] =	dma.local [hbm:s2], $0x1  }
0x94: {  	_ =	swait.eq [sflag:s5], $0x1  }
0x95: {  	[sflag:s5] =	ssyncset.done $0x0  }
0x96: {  	[sflag:s5] =	ssyncadd.s32 $0xFFFFFFFF  }
0x97: {  	s17 =	sld [smem:$0x10];
	(tm) =	ssettm $0x1  }
0x98: {  	s18 =	sld [smem:$0x3FFB];
	_ =	sdelay $0x3  }
0x99: {  	_ =	strace s18  }
0x9a: {  	s5 =	sld [smem:$0x3FFC];
	_ =	sdelay $0x3  }
0x9b: {  	_ =	strace s5  }
0x9c: {  	s5 =	sld [smem:$0x3FFD];
	_ =	sdelay $0x3  }
0x9d: {  	_ =	strace s5  }
0x9e: {  	_ =	strace $0x8FFFFFFF  }
0x9f: {  	s19 =	sld [smem:$0x3FDB];
	_ =	sdelay $0x1  }
0xa0: {  	s20 =	simm.s32 $_scs_section_size  }
0xa1: {  	s7 =	simm.s32 $_size__tile_overlayer_lowered;
	s8 =	simm.s32 $_tile_overlayer_lowered  }
0xa2: {  	s23 =	simm.s32 $0x1BFF;
	s22 =	sshll.u32 s8, $0x1;
	s5 =	sadd.s32 s20, s19  }
0xa3: {  	s9 =	simm.s32 $0x0;
	s21 =	sshll.u32 s7, $0x1;
	s7 =	sadd.s32 s22, s5  }
0xa4: {  	[timem:s9], [sflag:s23] =	dma.local [hbm:s7], s21  }
0xa5: {  	_ =	swait.ge [sflag:s23], s21  }
0xa6: {  	s6 =	ssub.s32 $0x0, s21;
	[sflag:s23] =	ssyncset.done $0x0  }
0xa7: {  	[sflag:s23] =	ssyncadd.s32 s6;
	_ =	sdelay $0x1  }
0xa8: {  	s24 =	simm.s32 $0x1B8B  }
0xa9: {  	_ =	swait.ge [sflag:s24], $0x1  }
0xaa: {  	[sflag:s24] =	ssyncset.done $0x0  }
0xab: {  	s25 =	simm.s32 $0x1B8E;
	[sflag:s24] =	ssyncadd.s32 $0xFFFFFFFF  }
0xac: {  	s26 =	simm.s32 $execute0_lowered;
	[smem:$0x3FD2] =	sst s25  }
0xad: {  	s6 =	sshll.u32 s26, $0x1;
	_ =	strace $0x80000046;
	[dreg:$0x1] =	wrdreg $0xFFFFFFFF  }
0xae: {  	s28 =	simm.s32 $_size_execute0_lowered;
	s5 =	sadd.s32 s5, s6;
	[dreg:$0x0] =	wrdreg $0x0  }
0xaf: {  	s6 =	sshll.u32 s28, $0x1;
	[dreg:$0x2] =	wrdreg s5  }
0xb0: {  	[dreg:$0x3] =	wrdreg s6  }
0xb1: {  	[dreg:$0x4] =	wrdreg $0xC0  }
0xb2: {  	_ =	task [dreg:s9], $0x5FFFF  }
0xb3: {  	[dreg:$0x1] =	wrdreg $0xFFFFFFFF  }
0xb4: {  	[dreg:$0x0] =	wrdreg $0x60  }
0xb5: {  	[dreg:$0x2] =	wrdreg s16  }
0xb6: {  	[dreg:$0x3] =	wrdreg s4  }
0xb7: {  	[dreg:$0x4] =	wrdreg s17  }
0xb8: {  	[dreg:$0x5] =	wrdreg $0x9  }
0xb9: {  	_ =	task.clear_ibuf [dreg:s9], $0x6FFFF;
	_ =	strace $0x90000046  }
0xba: {  	s29 =	simm.s32 $0x9;
	_ =	strace $0x80000048  }
0xbb: {  	_ =	swait.ge [sflag:s29], $0x1  }
0xbc: {  	[sflag:s29] =	ssyncadd.s32 $0xFFFFFFFF  }
0xbd: {  	_ =	strace $0x90000048  }
0xbe: {  	_ =	sfence  }
0xbf: {  	s30 =	sld [smem:$0x0];
	_ =	sdelay $0x2  }
0xc0: {  	s31 =	sshll.u32 s1, $0xD;
	s1 =	sshrl.u32 s1, $0x2  }
0xc1: {  	s3 =	sand.u32 $0x4000, s31;
	s1 =	sadd.s32 s1, s30  }
0xc2: {  	s0 =	sor.u32 s3, s0;
	s1 =	sshll.u32 s1, $0x11  }
0xc3: {  	s0 =	sor.u32 s1, s0  }
0xc4: {  	s0 =	sadd.s32 $0x8F2B, s0  }
0xc5: {  	[sflag:s0] =	ssyncadd.remote.s32 $0x1  }
0xc6: {  	_ =	sfence.sel $0xFFFF  }
0xc7: {  	[dreg:$0x0] =	wrdreg $0xFFFFFFFF;
	(pc) =	sbr.abs _section_cstart, $3  }
0xc8: {  	[dreg:$0x1] =	wrdreg $0xFFFFFFFF  }
0xc9: {  	_ =	task.clear_ibuf [dreg:s9], $0x2FFFF;
	_ =	strace $0x9FFFFFFF  }
0xca: {  	(tm) =	ssettm $0x7FFFFFFF  }
0xcb: {  	_ =	shalt  }
tec
execute0_lowered:
.L_overlay_start_1:
0x0: {  	(tag) =	ssettag $0x1  }
0x1: {  	s0 =	srdreg.scid;
	s1 =	stileid.u32  }
0x2: {  	s4 =	rddreg [dreg:$0x0];
	s0 =	sand.u32 $0x1, s0;
	s1 =	sshll.u32 s1, $0x1  }
0x3: {  	s6 =	rddreg [dreg:$0x2];
	s5 =	simm.s32 $0x0;
	s1 =	sor.u32 s0, s1  }
0x4: {  	[smem:$0x7FF] =	sst s5;
	s2 =	sshll.u32 s1, $0x10;
	s21 =	sshll.u32 s1, $0x5  }
0x5: {  	_ =	strace $0x80000047;
	s4 =	sadd.s32 s4, s2;
	[dreg:$0x5] =	wrdreg s21  }
0x6: {  	s24 =	sor.u32 $0x3, s21;
	[dreg:$0x4] =	wrdreg s4  }
0x7: {  	s25 =	sor.u32 $0x1, s21;
	[dreg:$0x8] =	wrdreg s24  }
0x8: {  	s26 =	sor.u32 $0x4, s21;
	[dreg:$0x9] =	wrdreg s25  }
0x9: {  	s19 =	simm.s32 $0x800;
	s28 =	sor.u32 $0x2, s21;
	[dreg:$0xa] =	wrdreg s26  }
0xa: {  	s20 =	simm.s32 $0x4800;
	s30 =	sor.u32 $0x5, s21;
	[dreg:$0xb] =	wrdreg s28  }
0xb: {  	s0 =	ssub.s32 $0x2, s0;
	s22 =	sadd.s32 $0x800, s4;
	[dreg:$0xc] =	wrdreg s30  }
0xc: {  	s29 =	sadd.s32 s2, s6;
	s23 =	sadd.s32 $0x1000, s4;
	[dreg:$0x6] =	wrdreg s22  }
0xd: {  	s3 =	sshrl.u32 s0, $0x1;
	s31 =	sadd.s32 $0xF000, s29;
	[dreg:$0x7] =	wrdreg s23  }
0xe: {  	s0 =	ssub.s32 s0, s3;
	s1 =	sadd.s32 $0xF800, s29;
	[dreg:$0xd] =	wrdreg s31  }
0xf: {  	s21 =	simm.s32 $0x8800;
	s0 =	smax.u32 s0, $0x1;
	[dreg:$0xe] =	wrdreg s1  }
0x10: {  	s24 =	simm.s32 $0x2;
	[dreg:$0xf] =	wrdreg s0;
	s1 =	simm.s32 $0x0  }
.LBB2_1:
0x11: {  	[dreg:$0x10] =	wrdreg s1  }
0x12: {  	s0 =	rddreg [dreg:$0x1];
	s28 =	simm.s32 $0x7  }
0x13: {  	[tilespmem:s5], [sflag:$0x7] =	stream.linear.gather [hbm4b:s0+s5], $0x800, $0x38;
	[tilespmem:$0x18800] =	vst v63  }
0x14: {  	_ =	swait.ge [sflag:s28], $0x800  }
0x15: {  	[sflag:s28] =	ssyncset.done $0x0  }
0x16: {  	s29 =	rddreg [dreg:$0x4];
	[sflag:s28] =	ssyncadd.s32 $0xFFFFF800  }
0x17: {  	[tilespmem:s19], [sflag:$0x1] =	stream.linear.gather [hbm4b:s29+s5], $0x4000, $0x38;
	[tilespmem:$0x18800] =	vst v63  }
0x18: {  	s30 =	rddreg [dreg:$0x6]  }
0x19: {  	[tilespmem:s20], [sflag:$0x2] =	stream.linear.gather [hbm4b:s30+s5], $0x4000, $0x38;
	[tilespmem:$0x18800] =	vst v63  }
0x1a: {  	s0 =	simm.s32 $0x0;
	s31 =	rddreg [dreg:$0x7]  }
0x1b: {  	[tilespmem:s21], [sflag:$0x3] =	stream.linear.gather [hbm4b:s31+s5], $0x4000, $0x38;
	[tilespmem:$0x18800] =	vst v63  }
.LBB2_2:
0x1c: {  	s1 =	simm.s32 $0x1  }
0x1d: {  	_ =	swait.ge [sflag:s1], $0x4000  }
0x1e: {  	p0 =	seq.s32 s0, $0x0;
	[sflag:s1] =	ssyncset.done $0x0  }
0x1f: {  	s2 =	simm.s32 $0x0;
	[sflag:s1] =	ssyncadd.s32 $0xFFFFC000;
	s1 =	simm.s32 @!p0 $0x4  }
0x20: {  	s3 =	sand.u32 $0x40, s2;
	_ =	swait.ge @!p0 [sflag:s1], $0x4000  }
0x21: {  	s4 =	sand.u32 $0x780, s2;
	s6 =	sor.u32 $0x30, s3;
	[sflag:s1] =	ssyncset.done @!p0 $0x0  }
0x22: {  	s23 =	sor.u32 s6, s4;
	[sflag:s1] =	ssyncadd.s32 @!p0 $0xFFFFC000  }
0x23: {  	v0 =	vld [tilespmem:s23+$0x0]  }
0x24: {  	s25 =	sor.u32 $0x10, s3;
	v1 =	vld [tilespmem:s2+$0x0]  }
0x25: {  	s8 =	sor.u32 $0x20, s3;
	s7 =	sor.u32 s25, s4  }
0x26: {  	s4 =	sor.u32 s8, s4;
	v2 =	vld [tilespmem:s7+$0x0]  }
0x27: {  	v3 =	vld [tilespmem:s4+$0x0]  }
0x28: {  	v4 =	vshll.u32 v0, $0x3  }
0x29: {  	v5 =	vshll.u32 v1, $0x3;
	v0 =	vand.u32 $0x7F, v0;
	v4 =	vand.u32 $0xFFFFFC00, v4  }
0x2a: {  	v1 =	vand.u32 $0x7F, v1;
	v6 =	vand.u32 $0xFFFFFC00, v5;
	v5 =	vor.u32 v0, v4  }
0x2b: {  	v0 =	vor.u32 v1, v6;
	v1 =	vshll.u32 v2, $0x3  }
0x2c: {  	v4 =	vshll.u32 v3, $0x3;
	v2 =	vand.u32 $0x7F, v2;
	v1 =	vand.u32 $0xFFFFFC00, v1  }
0x2d: {  	v6 =	vand.u32 $0xFFFFFC00, v4;
	v4 =	vor.u32 v2, v1;
	v1 =	vand.u32 $0x7F, v3  }
0x2e: {  	v3 =	vor.u32 v1, v6  }
0x2f: {  	v1 =	vld.idx.msk [tilespmem:v5+s19+$0x0], $0xffff  }
0x30: {  	v6 =	vor.u32 $0x80, v5;
	v2 =	vld.idx.msk [tilespmem:v0+s19+$0x0], $0xffff  }
0x31: {  	s2 =	sand.u32 $0x3C00, s2;
	v7 =	vor.u32 $0x80, v0  }
0x32: {  	s2 =	sadd.s32 $0xC800, s2;
	v8 =	vld.idx.msk [tilespmem:v4+s19+$0x0], $0xffff  }
0x33: {  	s9 =	sor.u32 s6, s2;
	v9 =	vor.u32 $0x80, v4;
	v10 =	vld.idx.msk [tilespmem:v3+s19+$0x0], $0xffff  }
0x34: {  	s26 =	sor.u32 s3, s2;
	v11 =	vor.u32 $0x80, v3;
	[tilespmem:s9+$0x0] =	vst v1  }
0x35: {  	[tilespmem:s26+$0x0] =	vst v2;
	v1 =	vld.idx.msk [tilespmem:v6+s19+$0x0], $0xffff  }
0x36: {  	s10 =	sor.u32 s25, s2;
	v2 =	vld.idx.msk [tilespmem:v7+s19+$0x0], $0xffff;
	v6 =	vor.u32 $0x100, v5  }
0x37: {  	s2 =	sor.u32 s8, s2;
	v7 =	vor.u32 $0x100, v0;
	[tilespmem:s10+$0x0] =	vst v8  }
0x38: {  	v8 =	vld.idx.msk [tilespmem:v9+s19+$0x0], $0xffff;
	[tilespmem:s2+$0x0] =	vst v10  }
0x39: {  	v9 =	vor.u32 $0x100, v4;
	v10 =	vld.idx.msk [tilespmem:v11+s19+$0x0], $0xffff  }
0x3a: {  	v11 =	vor.u32 $0x100, v3;
	[tilespmem:s9+$0x80] =	vst v1  }
0x3b: {  	[tilespmem:s26+$0x80] =	vst v2;
	v1 =	vld.idx.msk [tilespmem:v6+s19+$0x0], $0xffff  }
0x3c: {  	v2 =	vld.idx.msk [tilespmem:v7+s19+$0x0], $0xffff;
	v6 =	vor.u32 $0x180, v5  }
0x3d: {  	v7 =	vor.u32 $0x180, v0;
	[tilespmem:s10+$0x80] =	vst v8  }
0x3e: {  	v8 =	vld.idx.msk [tilespmem:v9+s19+$0x0], $0xffff;
	[tilespmem:s2+$0x80] =	vst v10  }
0x3f: {  	s8 =	simm.s32 $0x40;
	v9 =	vor.u32 $0x180, v4;
	v10 =	vld.idx.msk [tilespmem:v11+s19+$0x0], $0xffff  }
0x40: {  	s1 =	sand.u32 $0x40, s8;
	v11 =	vld [tilespmem:s8+$0x0];
	[tilespmem:s9+$0x100] =	vst v1  }
0x41: {  	s11 =	sand.u32 $0x780, s8;
	s3 =	sor.u32 $0x30, s1;
	[tilespmem:s26+$0x100] =	vst v2;
	v1 =	vld.idx.msk [tilespmem:v6+s19+$0x0], $0xffff  }
0x42: {  	s13 =	sor.u32 s3, s11;
	v2 =	vor.u32 $0x180, v3;
	v6 =	vld.idx.msk [tilespmem:v7+s19+$0x0], $0xffff  }
0x43: {  	s14 =	sor.u32 $0x10, s1;
	v7 =	vor.u32 $0x200, v5;
	[tilespmem:s10+$0x100] =	vst v8;
	v8 =	vld [tilespmem:s13+$0x0]  }
0x44: {  	s16 =	sor.u32 $0x20, s1;
	s12 =	sor.u32 s14, s11;
	v9 =	vld.idx.msk [tilespmem:v9+s19+$0x0], $0xffff  }
0x45: {  	s11 =	sor.u32 s16, s11;
	v13 =	vld [tilespmem:s12+$0x0];
	v12 =	vor.u32 $0x200, v4;
	v14 =	vshll.u32 v11, $0x3  }
0x46: {  	v15 =	vld [tilespmem:s11+$0x0];
	[tilespmem:s2+$0x100] =	vst v10;
	v10 =	vor.u32 $0x200, v0;
	v11 =	vand.u32 $0x7F, v11;
	v14 =	vand.u32 $0xFFFFFC00, v14  }
0x47: {  	p1 =	por $0x0, $0x0;
	v16 =	vld.idx.msk [tilespmem:v2+s19+$0x0], $0xffff;
	[tilespmem:s9+$0x180] =	vst v1;
	v1 =	vor.u32 v11, v14;
	s9 =	simm.s32 $0x1  }
0x48: {  	v11 =	vor.u32 $0x200, v3;
	v7 =	vld.idx.msk [tilespmem:v7+s19+$0x0], $0xffff;
	v2 =	vshll.u32 v8, $0x3;
	s9 =	simm.s32 @!p1 $0x0  }
0x49: {  	v8 =	vand.u32 $0x7F, v8;
	[tilespmem:s10+$0x180] =	vst v9;
	v2 =	vand.u32 $0xFFFFFC00, v2;
	s9 =	sshll.u32 s9, $0x6;
	v9 =	vor.u32 $0x280, v5  }
0x4a: {  	v14 =	vor.u32 $0x280, v4;
	[tilespmem:s26+$0x180] =	vst v6;
	v6 =	vld.idx.msk [tilespmem:v12+s19+$0x0], $0xffff;
	v12 =	vshll.u32 v13, $0x3;
	v2 =	vor.u32 v8, v2;
	s10 =	sadd.s32 $0x0, s9  }
0x4b: {  	v8 =	vld.idx.msk [tilespmem:v10+s19+$0x0], $0xffff;
	v10 =	vshll.u32 v15, $0x3;
	v13 =	vand.u32 $0x7F, v13;
	v12 =	vand.u32 $0xFFFFFC00, v12;
	s11 =	sadd.s32 $0x30, s10  }
0x4c: {  	v10 =	vand.u32 $0xFFFFFC00, v10;
	[tilespmem:s2+$0x180] =	vst v16;
	v17 =	vld.idx.msk [tilespmem:v1+s19+$0x0], $0xffff;
	v21 =	vor.u32 v13, v12;
	v12 =	vand.u32 $0x7F, v15;
	s17 =	sor.u32 $0x200, s11  }
0x4d: {  	s7 =	sadd.s32 $0x10, s10;
	v11 =	vld.idx.msk [tilespmem:v11+s19+$0x0], $0xffff;
	v10 =	vor.u32 v12, v10;
	[tilespmem:s17+$0xC800] =	vst v7  }
0x4e: {  	s18 =	sor.u32 $0x200, s7;
	v7 =	vor.u32 $0x280, v0;
	v9 =	vld.idx.msk [tilespmem:v9+s19+$0x0], $0xffff  }
0x4f: {  	s15 =	simm.s32 $0x200;
	s22 =	sor.u32 $0x200, s10;
	v12 =	vor.u32 $0x280, v3;
	v13 =	vld.idx.msk [tilespmem:v2+s19+$0x0], $0xffff;
	[tilespmem:s18+$0xC800] =	vst v6  }
0x50: {  	s25 =	sand.u32 $0x3C00, s15;
	s12 =	sadd.s32 $0x20, s10;
	[tilespmem:s22+$0xC800] =	vst v8;
	v8 =	vor.u32 $0x80, v1;
	v6 =	vld.idx.msk [tilespmem:v14+s19+$0x0], $0xffff  }
0x51: {  	s4 =	sadd.s32 $0xC800, s25;
	s23 =	sor.u32 $0x200, s12;
	v14 =	vor.u32 $0x300, v5;
	v15 =	vld.idx.msk [tilespmem:v21+s19+$0x0], $0xffff  }
0x52: {  	v16 =	vor.u32 $0x80, v2;
	s2 =	sor.u32 s1, s4;
	[tilespmem:s23+$0xC800] =	vst v11;
	v18 =	vld.idx.msk [tilespmem:v10+s19+$0x0], $0xffff  }
0x53: {  	s26 =	sor.u32 $0x280, s11;
	v19 =	vor.u32 $0x80, v21;
	[tilespmem:s2+$0x0] =	vst v17;
	v22 =	vld.idx.msk [tilespmem:v7+s19+$0x0], $0xffff  }
0x54: {  	s25 =	sor.u32 s3, s4;
	v7 =	vor.u32 $0x80, v10;
	v11 =	vld.idx.msk [tilespmem:v12+s19+$0x0], $0xffff;
	[tilespmem:s26+$0xC800] =	vst v9  }
0x55: {  	s13 =	sor.u32 $0x280, s7;
	v9 =	vor.u32 $0x300, v4;
	[tilespmem:s25+$0x0] =	vst v13;
	v8 =	vld.idx.msk [tilespmem:v8+s19+$0x0], $0xffff  }
0x56: {  	s28 =	sor.u32 s14, s4;
	v13 =	vor.u32 $0x300, v3;
	v12 =	vld.idx.msk [tilespmem:v14+s19+$0x0], $0xffff;
	[tilespmem:s13+$0xC800] =	vst v6  }
0x57: {  	s18 =	sor.u32 s16, s4;
	v5 =	vor.u32 $0x380, v5;
	v16 =	vld.idx.msk [tilespmem:v16+s19+$0x0], $0xffff;
	[tilespmem:s28+$0x0] =	vst v15  }
0x58: {  	s14 =	sor.u32 $0x280, s12;
	v17 =	vor.u32 $0x100, v2;
	v15 =	vld.idx.msk [tilespmem:v19+s19+$0x0], $0xffff;
	[tilespmem:s18+$0x0] =	vst v18  }
0x59: {  	v19 =	vor.u32 $0x100, v1;
	[tilespmem:s14+$0xC800] =	vst v11;
	v7 =	vld.idx.msk [tilespmem:v7+s19+$0x0], $0xffff  }
0x5a: {  	s16 =	sor.u32 $0x300, s11;
	v6 =	vor.u32 $0x100, v21;
	v23 =	vld.idx.msk [tilespmem:v9+s19+$0x0], $0xffff;
	[tilespmem:s2+$0x80] =	vst v8  }
0x5b: {  	v20 =	vor.u32 $0x100, v10;
	v14 =	vld.idx.msk [tilespmem:v13+s19+$0x0], $0xffff;
	[tilespmem:s16+$0xC800] =	vst v12  }
0x5c: {  	[tilespmem:s25+$0x80] =	vst v16;
	v16 =	vor.u32 $0x300, v0;
	v24 =	vld.idx.msk [tilespmem:v5+s19+$0x0], $0xffff  }
0x5d: {  	v25 =	vor.u32 $0x380, v4;
	v18 =	vld.idx.msk [tilespmem:v17+s19+$0x0], $0xffff;
	[tilespmem:s28+$0x80] =	vst v15  }
0x5e: {  	s17 =	sor.u32 $0x280, s10;
	v4 =	vor.u32 $0x380, v21;
	v17 =	vld.idx.msk [tilespmem:v19+s19+$0x0], $0xffff;
	s1 =	rddreg [dreg:$0x5];
	[tilespmem:s18+$0x80] =	vst v7  }
0x5f: {  	s31 =	simm.s32 $0x80;
	s6 =	simm.s32 $0x4;
	v11 =	vor.u32 $0x200, v21;
	v13 =	vor.u32 $0x180, v21;
	v19 =	vld.idx.msk [tilespmem:v6+s19+$0x0], $0xffff;
	[tilespmem:s17+$0xC800] =	vst v22;
	v22 =	vor.u32 $0x180, v2  }
0x60: {  	s3 =	smul.u32 $0x3, s0;
	s30 =	sor.u32 $0x300, s10;
	s22 =	sor.u32 $0x300, s7;
	v8 =	vor.u32 $0x280, v21;
	v6 =	vor.u32 $0x300, v21;
	v21 =	vor.u32 $0x180, v1;
	v20 =	vld.idx.msk [tilespmem:v20+s19+$0x0], $0xffff  }
0x61: {  	s29 =	sor.u32 $0x380, s7;
	s23 =	sor.u32 $0x300, s12;
	s26 =	sor.u32 $0x380, s11;
	v3 =	vor.u32 $0x380, v3;
	v9 =	vor.u32 $0x200, v10;
	v12 =	vor.u32 $0x180, v10;
	[tilespmem:s22+$0xC800] =	vst v23;
	v15 =	vld.idx.msk [tilespmem:v16+s19+$0x0], $0xffff  }
0x62: {  	s16 =	sor.u32 $0x380, s10;
	v5 =	vor.u32 $0x300, v10;
	v7 =	vor.u32 $0x280, v10;
	s17 =	sor.u32 $0x380, s12;
	v10 =	vor.u32 $0x380, v10;
	s9 =	sadd.s32 s1, s3;
	v16 =	vld.idx.msk [tilespmem:v25+s19+$0x0], $0xffff;
	[tilespmem:s26+$0xC800] =	vst v24  }
.LBB2_3:
0x63: {  	v23 =	vld [tilespmem:s31+$0x0];
	[tilespmem:s25+$0x100] =	vst v18;
	s8 =	sadd.s32 $0x40, s8  }
0x64: {  	s6 =	sadd.s32 $0x4, s6;
	s14 =	sand.u32 $0x40, s8;
	[tilespmem:s2+$0x100] =	vst v17;
	v17 =	vld.idx.msk [tilespmem:v22+s19+$0x0], $0xffff  }
0x65: {  	s1 =	sand.u32 $0x780, s8;
	p2 =	slt.u32 s6, $0x7C;
	s10 =	sor.u32 $0x30, s14;
	v18 =	vld.idx.msk [tilespmem:v21+s19+$0x0], $0xffff;
	[tilespmem:s28+$0x100] =	vst v19  }
0x66: {  	s12 =	sor.u32 $0x10, s14;
	s11 =	sor.u32 $0x20, s14;
	v19 =	vor.u32 $0x200, v2;
	s4 =	sor.u32 s10, s1;
	v13 =	vld.idx.msk [tilespmem:v13+s19+$0x0], $0xffff;
	[tilespmem:s18+$0x100] =	vst v20  }
0x67: {  	v21 =	vor.u32 $0x200, v1;
	s7 =	sor.u32 s12, s1;
	s1 =	sor.u32 s11, s1;
	v20 =	vld [tilespmem:s4+$0x0];
	[tilespmem:s23+$0xC800] =	vst v14  }
0x68: {  	v14 =	vld [tilespmem:s7+$0x0];
	[tilespmem:s30+$0xC800] =	vst v15  }
0x69: {  	v15 =	vshll.u32 v23, $0x3;
	v22 =	vld [tilespmem:s1+$0x0];
	[tilespmem:s29+$0xC800] =	vst v16  }
0x6a: {  	v16 =	vand.u32 $0x7F, v23;
	v15 =	vand.u32 $0xFFFFFC00, v15;
	v12 =	vld.idx.msk [tilespmem:v12+s19+$0x0], $0xffff;
	[tilespmem:s25+$0x180] =	vst v17;
	v17 =	vor.u32 $0x380, v0;
	v0 =	vmovc v1  }
0x6b: {  	p1 =	por !p1, !p1;
	s1 =	simm.s32 $0x1;
	v1 =	vor.u32 v16, v15;
	[tilespmem:s2+$0x180] =	vst v18;
	v15 =	vld.idx.msk [tilespmem:v19+s19+$0x0], $0xffff  }
0x6c: {  	s1 =	simm.s32 @!p1 $0x0;
	v16 =	vshll.u32 v20, $0x3;
	v18 =	vld.idx.msk [tilespmem:v21+s19+$0x0], $0xffff;
	[tilespmem:s28+$0x180] =	vst v13  }
0x6d: {  	s1 =	sshll.u32 s1, $0x6;
	v13 =	vand.u32 $0x7F, v20;
	v16 =	vand.u32 $0xFFFFFC00, v16;
	v19 =	vld.idx.msk [tilespmem:v11+s19+$0x0], $0xffff;
	v11 =	vor.u32 $0x280, v2  }
0x6e: {  	s2 =	sadd.s32 s1, s15;
	v20 =	vshll.u32 v14, $0x3;
	v21 =	vshll.u32 v22, $0x3;
	v16 =	vor.u32 v13, v16;
	v23 =	vld.idx.msk [tilespmem:v3+s19+$0x0], $0xffff;
	v3 =	vmovc v10  }
0x6f: {  	s25 =	sadd.s32 $0x10, s2;
	s28 =	sadd.s32 $0x20, s2;
	s13 =	sadd.s32 $0x30, s2;
	v10 =	vand.u32 $0x7F, v14;
	v13 =	vand.u32 $0xFFFFFC00, v20;
	v14 =	vand.u32 $0xFFFFFC00, v21;
	v17 =	vld.idx.msk [tilespmem:v17+s19+$0x0], $0xffff  }
0x70: {  	s29 =	sor.u32 $0x200, s25;
	s1 =	sor.u32 $0x200, s13;
	v10 =	vor.u32 v10, v13;
	v13 =	vand.u32 $0x7F, v22;
	v21 =	vor.u32 $0x280, v0;
	v20 =	vld.idx.msk [tilespmem:v1+s19+$0x0], $0xffff;
	[tilespmem:s18+$0x180] =	vst v12;
	s18 =	sor.u32 $0x200, s28  }
0x71: {  	s7 =	sor.u32 $0x200, s2;
	s26 =	sor.u32 $0x280, s25;
	s4 =	sor.u32 $0x280, s28;
	v22 =	vor.u32 $0x80, v10;
	v24 =	vor.u32 $0x100, v10;
	v14 =	vor.u32 v13, v14;
	v25 =	vld.idx.msk [tilespmem:v9+s19+$0x0], $0xffff;
	[tilespmem:s1+$0xC800] =	vst v15  }
0x72: {  	s23 =	sor.u32 $0x300, s28;
	v13 =	vor.u32 $0x180, v10;
	v15 =	vor.u32 $0x80, v14;
	v26 =	vor.u32 $0x100, v14;
	s1 =	sor.u32 $0x280, s2;
	[tilespmem:s7+$0xC800] =	vst v18;
	s7 =	sor.u32 $0x300, s25;
	v18 =	vld.idx.msk [tilespmem:v11+s19+$0x0], $0xffff  }
0x73: {  	s30 =	sor.u32 $0x300, s2;
	v12 =	vor.u32 $0x180, v14;
	v9 =	vor.u32 $0x200, v14;
	v11 =	vor.u32 $0x200, v10;
	v27 =	vld.idx.msk [tilespmem:v16+s19+$0x0], $0xffff;
	[tilespmem:s29+$0xC800] =	vst v19;
	s29 =	sor.u32 $0x380, s25;
	s25 =	sor.u32 $0x380, s28  }
0x74: {  	v29 =	vor.u32 $0x300, v2;
	s2 =	sor.u32 $0x380, s2;
	v19 =	vor.u32 $0x280, v14;
	v28 =	vld.idx.msk [tilespmem:v8+s19+$0x0], $0xffff;
	v8 =	vor.u32 $0x280, v10;
	[tilespmem:s17+$0xC800] =	vst v23;
	s17 =	smov.u32 s25  }
0x75: {  	s15 =	sadd.s32 $0x200, s15;
	v32 =	vor.u32 $0x80, v16;
	v30 =	vor.u32 $0x300, v10;
	v31 =	vor.u32 $0x300, v14;
	v23 =	vld.idx.msk [tilespmem:v10+s19+$0x0], $0xffff;
	[tilespmem:s16+$0xC800] =	vst v17;
	s16 =	smov.u32 s2  }
0x76: {  	v33 =	vor.u32 $0x380, v10;
	s2 =	sand.u32 $0x3C00, s15;
	v17 =	vor.u32 $0x80, v1;
	v10 =	vor.u32 $0x380, v14;
	v34 =	vld.idx.msk [tilespmem:v14+s19+$0x0], $0xffff  }
0x77: {  	s22 =	sadd.s32 $0xC800, s2;
	v35 =	vld.idx.msk [tilespmem:v21+s19+$0x0], $0xffff;
	[tilespmem:s18+$0xC800] =	vst v25;
	s18 =	sor.u32 $0x280, s13  }
0x78: {  	s2 =	sor.u32 s14, s22;
	s28 =	sor.u32 s12, s22;
	s25 =	sor.u32 s10, s22;
	v14 =	vld.idx.msk [tilespmem:v7+s19+$0x0], $0xffff;
	[tilespmem:s18+$0xC800] =	vst v18;
	v7 =	vmov v19  }
0x79: {  	s18 =	sor.u32 s11, s22;
	[tilespmem:s25+$0x0] =	vst v27;
	v18 =	vld.idx.msk [tilespmem:v29+s19+$0x0], $0xffff  }
0x7a: {  	[tilespmem:s2+$0x0] =	vst v20;
	v19 =	vld.idx.msk [tilespmem:v32+s19+$0x0], $0xffff  }
0x7b: {  	v20 =	vor.u32 $0x380, v2;
	v2 =	vmov v16;
	v17 =	vld.idx.msk [tilespmem:v17+s19+$0x0], $0xffff;
	[tilespmem:s28+$0x0] =	vst v23  }
0x7c: {  	v21 =	vor.u32 $0x100, v2;
	v16 =	vld.idx.msk [tilespmem:v22+s19+$0x0], $0xffff;
	[tilespmem:s18+$0x0] =	vst v34  }
0x7d: {  	v22 =	vor.u32 $0x100, v1;
	v15 =	vld.idx.msk [tilespmem:v15+s19+$0x0], $0xffff;
	[tilespmem:s26+$0xC800] =	vst v28  }
0x7e: {  	v23 =	vld.idx.msk [tilespmem:v6+s19+$0x0], $0xffff;
	[tilespmem:s4+$0xC800] =	vst v14;
	s4 =	sor.u32 $0x300, s13;
	v6 =	vmov v30  }
0x7f: {  	v14 =	vld.idx.msk [tilespmem:v5+s19+$0x0], $0xffff;
	[tilespmem:s4+$0xC800] =	vst v18;
	v5 =	vmov v31  }
0x80: {  	v25 =	vor.u32 $0x300, v0;
	[tilespmem:s25+$0x80] =	vst v19;
	v27 =	vld.idx.msk [tilespmem:v20+s19+$0x0], $0xffff  }
0x81: {  	[tilespmem:s2+$0x80] =	vst v17;
	v18 =	vld.idx.msk [tilespmem:v21+s19+$0x0], $0xffff  }
.Ltmp0:
0x82: {  	v17 =	vld.idx.msk [tilespmem:v22+s19+$0x0], $0xffff;
	[tilespmem:s28+$0x80] =	vst v16;
	(pc) =	sbr.rel @p2 .LBB2_3-.Ltmp0, $4  }
0x83: {  	v22 =	vor.u32 $0x180, v2;
	v19 =	vld.idx.msk [tilespmem:v24+s19+$0x0], $0xffff;
	[tilespmem:s18+$0x80] =	vst v15  }
0x84: {  	v21 =	vor.u32 $0x180, v1;
	v20 =	vld.idx.msk [tilespmem:v26+s19+$0x0], $0xffff;
	[tilespmem:s1+$0xC800] =	vst v35  }
0x85: {  	s1 =	sor.u32 $0x380, s13;
	v15 =	vld.idx.msk [tilespmem:v25+s19+$0x0], $0xffff;
	[tilespmem:s7+$0xC800] =	vst v23  }
0x86: {  	s31 =	sadd.s32 $0x40, s31;
	v16 =	vld.idx.msk [tilespmem:v4+s19+$0x0], $0xffff;
	[tilespmem:s1+$0xC800] =	vst v27;
	v4 =	vmov v33  }
0x87: {  	_ =	sdelay $0x2  }
0x88: {  	[tilespmem:s25+$0x100] =	vst v18  }
0x89: {  	v18 =	vld.idx.msk [tilespmem:v22+s19+$0x0], $0xffff;
	[tilespmem:s28+$0x100] =	vst v19  }
0x8a: {  	[tilespmem:s2+$0x100] =	vst v17;
	v19 =	vor.u32 $0x200, v2;
	v13 =	vld.idx.msk [tilespmem:v13+s19+$0x0], $0xffff  }
0x8b: {  	v17 =	vld.idx.msk [tilespmem:v21+s19+$0x0], $0xffff;
	[tilespmem:s18+$0x100] =	vst v20  }
0x8c: {  	v20 =	vor.u32 $0x200, v1;
	v12 =	vld.idx.msk [tilespmem:v12+s19+$0x0], $0xffff;
	_ =	sdelay $0x1  }
0x8d: {  	p1 =	por !p1, !p1;
	s1 =	simm.s32 $0x1;
	[tilespmem:s25+$0x180] =	vst v18  }
0x8e: {  	s1 =	simm.s32 @!p1 $0x0;
	v18 =	vld.idx.msk [tilespmem:v19+s19+$0x0], $0xffff;
	[tilespmem:s28+$0x180] =	vst v13  }
0x8f: {  	s1 =	sshll.u32 s1, $0x6;
	[tilespmem:s2+$0x180] =	vst v17;
	v13 =	vor.u32 $0x280, v2;
	v11 =	vld.idx.msk [tilespmem:v11+s19+$0x0], $0xffff  }
0x90: {  	s1 =	sadd.s32 s1, s15;
	[tilespmem:s18+$0x180] =	vst v12;
	v12 =	vld.idx.msk [tilespmem:v20+s19+$0x0], $0xffff  }
0x91: {  	s10 =	sadd.s32 $0x30, s1;
	v17 =	vor.u32 $0x280, v1;
	v9 =	vld.idx.msk [tilespmem:v9+s19+$0x0], $0xffff  }
0x92: {  	s4 =	sadd.s32 $0x10, s1;
	s6 =	sor.u32 $0x200, s10  }
0x93: {  	s8 =	sor.u32 $0x200, s4;
	[tilespmem:s6+$0xC800] =	vst v18  }
0x94: {  	s7 =	sadd.s32 $0x20, s1;
	s12 =	sor.u32 $0x200, s1;
	v13 =	vld.idx.msk [tilespmem:v13+s19+$0x0], $0xffff;
	[tilespmem:s8+$0xC800] =	vst v11  }
0x95: {  	s11 =	sor.u32 $0x200, s7;
	v11 =	vor.u32 $0x300, v2;
	[tilespmem:s12+$0xC800] =	vst v12;
	v8 =	vld.idx.msk [tilespmem:v8+s19+$0x0], $0xffff  }
0x96: {  	[tilespmem:s11+$0xC800] =	vst v9;
	v9 =	vld.idx.msk [tilespmem:v17+s19+$0x0], $0xffff  }
0x97: {  	v12 =	vor.u32 $0x300, v1;
	v7 =	vld.idx.msk [tilespmem:v7+s19+$0x0], $0xffff  }
0x98: {  	[tilespmem:s23+$0xC800] =	vst v14;
	s13 =	sor.u32 $0x280, s10  }
0x99: {  	s14 =	sor.u32 $0x280, s4;
	[tilespmem:s13+$0xC800] =	vst v13  }
0x9a: {  	v0 =	vor.u32 $0x380, v0;
	s18 =	sor.u32 $0x280, s1;
	v11 =	vld.idx.msk [tilespmem:v11+s19+$0x0], $0xffff;
	[tilespmem:s14+$0xC800] =	vst v8  }
0x9b: {  	s15 =	sor.u32 $0x280, s7;
	v2 =	vor.u32 $0x380, v2;
	[tilespmem:s18+$0xC800] =	vst v9;
	v6 =	vld.idx.msk [tilespmem:v6+s19+$0x0], $0xffff  }
0x9c: {  	[tilespmem:s15+$0xC800] =	vst v7;
	v7 =	vld.idx.msk [tilespmem:v12+s19+$0x0], $0xffff  }
0x9d: {  	[tilespmem:s30+$0xC800] =	vst v15;
	v1 =	vor.u32 $0x380, v1;
	v5 =	vld.idx.msk [tilespmem:v5+s19+$0x0], $0xffff  }
0x9e: {  	v3 =	vld.idx.msk [tilespmem:v3+s19+$0x0], $0xffff;
	[tilespmem:s29+$0xC800] =	vst v16;
	s22 =	sor.u32 $0x300, s10  }
0x9f: {  	v0 =	vld.idx.msk [tilespmem:v0+s19+$0x0], $0xffff;
	s23 =	sor.u32 $0x300, s4;
	[tilespmem:s22+$0xC800] =	vst v11  }
0xa0: {  	s26 =	sor.u32 $0x300, s1;
	v2 =	vld.idx.msk [tilespmem:v2+s19+$0x0], $0xffff;
	[tilespmem:s23+$0xC800] =	vst v6  }
0xa1: {  	s25 =	sor.u32 $0x300, s7;
	[tilespmem:s26+$0xC800] =	vst v7;
	v4 =	vld.idx.msk [tilespmem:v4+s19+$0x0], $0xffff  }
0xa2: {  	[tilespmem:s25+$0xC800] =	vst v5;
	v1 =	vld.idx.msk [tilespmem:v1+s19+$0x0], $0xffff  }
0xa3: {  	[tilespmem:s17+$0xC800] =	vst v3;
	v5 =	vld.idx.msk [tilespmem:v10+s19+$0x0], $0xffff  }
0xa4: {  	s2 =	sor.u32 $0x380, s10;
	[tilespmem:s16+$0xC800] =	vst v0  }
0xa5: {  	s4 =	sor.u32 $0x380, s4;
	[tilespmem:s2+$0xC800] =	vst v2  }
0xa6: {  	s1 =	sor.u32 $0x380, s1;
	[tilespmem:s4+$0xC800] =	vst v4  }
0xa7: {  	s9 =	sshll.u32 s9, $0xB;
	s10 =	rddreg [dreg:$0x2];
	s8 =	sor.u32 $0x380, s7;
	[tilespmem:s1+$0xC800] =	vst v1  }
0xa8: {  	s11 =	simm.s32 $0xC800;
	s1 =	sadd.s32 s10, s9;
	[tilespmem:s8+$0xC800] =	vst v5  }
0xa9: {  	[hbm4b:s1+s5] =	stream.linear.scatter [tilespmem:s11], [sflag:$0x4], $0x4000, $0x38;
	[tilespmem:$0x18800] =	vst v63  }
0xaa: {  	s12 =	rddreg [dreg:$0x8]  }
0xab: {  	s1 =	sadd.s32 s3, s12  }
0xac: {  	s1 =	sshll.u32 s1, $0xB  }
0xad: {  	s13 =	rddreg [dreg:$0x0];
	s1 =	sand.u32 $0x1FFFF800, s1  }
0xae: {  	s1 =	sadd.s32 s13, s1  }
0xaf: {  	[tilespmem:s19], [sflag:$0x1] =	stream.linear.gather [hbm4b:s1+s5], $0x4000, $0x38;
	[tilespmem:$0x18800] =	vst v63  }
0xb0: {  	_ =	swait.ge [sflag:s24], $0x4000  }
0xb1: {  	[sflag:s24] =	ssyncset.done $0x0  }
0xb2: {  	s14 =	simm.s32 $0x0;
	s1 =	simm.s32 @!p0 $0x5;
	[sflag:s24] =	ssyncadd.s32 $0xFFFFC000  }
0xb3: {  	s15 =	sand.u32 $0x40, s14;
	_ =	swait.ge @!p0 [sflag:s1], $0x4000  }
0xb4: {  	s16 =	sand.u32 $0x780, s14;
	s17 =	sor.u32 $0x30, s15;
	[sflag:s1] =	ssyncset.done @!p0 $0x0  }
0xb5: {  	s18 =	sor.u32 s17, s16;
	[sflag:s1] =	ssyncadd.s32 @!p0 $0xFFFFC000  }
0xb6: {  	v0 =	vld [tilespmem:s18+$0x0]  }
0xb7: {  	s22 =	sor.u32 $0x10, s15;
	v1 =	vld [tilespmem:s14+$0x0]  }
0xb8: {  	s23 =	sor.u32 $0x20, s15;
	s25 =	sor.u32 s22, s16  }
0xb9: {  	s6 =	sor.u32 s23, s16;
	v2 =	vld [tilespmem:s25+$0x0]  }
0xba: {  	v3 =	vld [tilespmem:s6+$0x0]  }
0xbb: {  	v4 =	vshll.u32 v0, $0x3  }
0xbc: {  	v5 =	vshll.u32 v1, $0x3;
	v0 =	vand.u32 $0x7F, v0;
	v4 =	vand.u32 $0xFFFFFC00, v4  }
0xbd: {  	v1 =	vand.u32 $0x7F, v1;
	v6 =	vand.u32 $0xFFFFFC00, v5;
	v5 =	vor.u32 v0, v4  }
0xbe: {  	v0 =	vor.u32 v1, v6;
	v1 =	vshll.u32 v2, $0x3  }
0xbf: {  	v4 =	vshll.u32 v3, $0x3;
	v2 =	vand.u32 $0x7F, v2;
	v1 =	vand.u32 $0xFFFFFC00, v1  }
0xc0: {  	v6 =	vand.u32 $0xFFFFFC00, v4;
	v4 =	vor.u32 v2, v1;
	v1 =	vand.u32 $0x7F, v3  }
0xc1: {  	v3 =	vor.u32 v1, v6  }
0xc2: {  	v1 =	vld.idx.msk [tilespmem:v5+s20+$0x0], $0xffff  }
0xc3: {  	v6 =	vor.u32 $0x80, v5;
	v2 =	vld.idx.msk [tilespmem:v0+s20+$0x0], $0xffff  }
0xc4: {  	s2 =	sand.u32 $0x3C00, s14;
	v7 =	vor.u32 $0x80, v0  }
0xc5: {  	s2 =	sadd.s32 $0x10800, s2;
	v8 =	vld.idx.msk [tilespmem:v4+s20+$0x0], $0xffff  }
0xc6: {  	s10 =	sor.u32 s17, s2;
	v9 =	vor.u32 $0x80, v4;
	v10 =	vld.idx.msk [tilespmem:v3+s20+$0x0], $0xffff  }
0xc7: {  	s26 =	sor.u32 s15, s2;
	v11 =	vor.u32 $0x80, v3;
	[tilespmem:s10+$0x0] =	vst v1  }
0xc8: {  	[tilespmem:s26+$0x0] =	vst v2;
	v1 =	vld.idx.msk [tilespmem:v6+s20+$0x0], $0xffff  }
0xc9: {  	s11 =	sor.u32 s22, s2;
	v2 =	vld.idx.msk [tilespmem:v7+s20+$0x0], $0xffff;
	v6 =	vor.u32 $0x100, v5  }
0xca: {  	s2 =	sor.u32 s23, s2;
	v7 =	vor.u32 $0x100, v0;
	[tilespmem:s11+$0x0] =	vst v8  }
0xcb: {  	v8 =	vld.idx.msk [tilespmem:v9+s20+$0x0], $0xffff;
	[tilespmem:s2+$0x0] =	vst v10  }
0xcc: {  	v9 =	vor.u32 $0x100, v4;
	v10 =	vld.idx.msk [tilespmem:v11+s20+$0x0], $0xffff  }
0xcd: {  	v11 =	vor.u32 $0x100, v3;
	[tilespmem:s10+$0x80] =	vst v1  }
0xce: {  	[tilespmem:s26+$0x80] =	vst v2;
	v1 =	vld.idx.msk [tilespmem:v6+s20+$0x0], $0xffff  }
0xcf: {  	v2 =	vld.idx.msk [tilespmem:v7+s20+$0x0], $0xffff;
	v6 =	vor.u32 $0x180, v5  }
0xd0: {  	v7 =	vor.u32 $0x180, v0;
	[tilespmem:s11+$0x80] =	vst v8  }
0xd1: {  	v8 =	vld.idx.msk [tilespmem:v9+s20+$0x0], $0xffff;
	[tilespmem:s2+$0x80] =	vst v10  }
0xd2: {  	s8 =	simm.s32 $0x40;
	v9 =	vor.u32 $0x180, v4;
	v10 =	vld.idx.msk [tilespmem:v11+s20+$0x0], $0xffff  }
0xd3: {  	s1 =	sand.u32 $0x40, s8;
	v11 =	vld [tilespmem:s8+$0x0];
	[tilespmem:s10+$0x100] =	vst v1  }
0xd4: {  	s12 =	sand.u32 $0x780, s8;
	s6 =	sor.u32 $0x30, s1;
	[tilespmem:s26+$0x100] =	vst v2;
	v1 =	vld.idx.msk [tilespmem:v6+s20+$0x0], $0xffff  }
0xd5: {  	s13 =	sor.u32 s6, s12;
	v2 =	vor.u32 $0x180, v3;
	v6 =	vld.idx.msk [tilespmem:v7+s20+$0x0], $0xffff  }
0xd6: {  	s14 =	sor.u32 $0x10, s1;
	v7 =	vor.u32 $0x200, v5;
	[tilespmem:s11+$0x100] =	vst v8;
	v8 =	vld [tilespmem:s13+$0x0]  }
0xd7: {  	s16 =	sor.u32 $0x20, s1;
	s13 =	sor.u32 s14, s12;
	v9 =	vld.idx.msk [tilespmem:v9+s20+$0x0], $0xffff  }
0xd8: {  	v12 =	vor.u32 $0x200, v4;
	s12 =	sor.u32 s16, s12;
	v13 =	vld [tilespmem:s13+$0x0];
	v14 =	vshll.u32 v11, $0x3  }
0xd9: {  	[tilespmem:s2+$0x100] =	vst v10;
	v10 =	vor.u32 $0x200, v0;
	v15 =	vld [tilespmem:s12+$0x0];
	v11 =	vand.u32 $0x7F, v11;
	v14 =	vand.u32 $0xFFFFFC00, v14  }
0xda: {  	p1 =	por $0x0, $0x0;
	v16 =	vld.idx.msk [tilespmem:v2+s20+$0x0], $0xffff;
	[tilespmem:s10+$0x180] =	vst v1;
	v1 =	vor.u32 v11, v14;
	s10 =	simm.s32 $0x1  }
0xdb: {  	v11 =	vor.u32 $0x200, v3;
	v7 =	vld.idx.msk [tilespmem:v7+s20+$0x0], $0xffff;
	v2 =	vshll.u32 v8, $0x3;
	s10 =	simm.s32 @!p1 $0x0  }
0xdc: {  	v8 =	vand.u32 $0x7F, v8;
	[tilespmem:s11+$0x180] =	vst v9;
	v2 =	vand.u32 $0xFFFFFC00, v2;
	s10 =	sshll.u32 s10, $0x6;
	v9 =	vor.u32 $0x280, v5  }
0xdd: {  	v14 =	vor.u32 $0x280, v4;
	[tilespmem:s26+$0x180] =	vst v6;
	v6 =	vld.idx.msk [tilespmem:v12+s20+$0x0], $0xffff;
	v12 =	vshll.u32 v13, $0x3;
	v2 =	vor.u32 v8, v2;
	s10 =	sadd.s32 $0x0, s10  }
0xde: {  	v8 =	vld.idx.msk [tilespmem:v10+s20+$0x0], $0xffff;
	v10 =	vshll.u32 v15, $0x3;
	v13 =	vand.u32 $0x7F, v13;
	v12 =	vand.u32 $0xFFFFFC00, v12;
	s11 =	sadd.s32 $0x30, s10  }
0xdf: {  	v10 =	vand.u32 $0xFFFFFC00, v10;
	[tilespmem:s2+$0x180] =	vst v16;
	v17 =	vld.idx.msk [tilespmem:v1+s20+$0x0], $0xffff;
	v21 =	vor.u32 v13, v12;
	v12 =	vand.u32 $0x7F, v15;
	s17 =	sor.u32 $0x200, s11  }
0xe0: {  	s7 =	sadd.s32 $0x10, s10;
	v11 =	vld.idx.msk [tilespmem:v11+s20+$0x0], $0xffff;
	v10 =	vor.u32 v12, v10;
	[tilespmem:s17+$0x10800] =	vst v7  }
0xe1: {  	s18 =	sor.u32 $0x200, s7;
	v7 =	vor.u32 $0x280, v0;
	v9 =	vld.idx.msk [tilespmem:v9+s20+$0x0], $0xffff  }
0xe2: {  	s15 =	simm.s32 $0x200;
	s22 =	sor.u32 $0x200, s10;
	v12 =	vor.u32 $0x280, v3;
	v13 =	vld.idx.msk [tilespmem:v2+s20+$0x0], $0xffff;
	[tilespmem:s18+$0x10800] =	vst v6  }
0xe3: {  	s25 =	sand.u32 $0x3C00, s15;
	s12 =	sadd.s32 $0x20, s10;
	[tilespmem:s22+$0x10800] =	vst v8;
	v8 =	vor.u32 $0x80, v1;
	v6 =	vld.idx.msk [tilespmem:v14+s20+$0x0], $0xffff  }
0xe4: {  	s4 =	sadd.s32 $0x10800, s25;
	s23 =	sor.u32 $0x200, s12;
	v14 =	vor.u32 $0x300, v5;
	v15 =	vld.idx.msk [tilespmem:v21+s20+$0x0], $0xffff  }
0xe5: {  	v16 =	vor.u32 $0x80, v2;
	s2 =	sor.u32 s1, s4;
	[tilespmem:s23+$0x10800] =	vst v11;
	v18 =	vld.idx.msk [tilespmem:v10+s20+$0x0], $0xffff  }
0xe6: {  	s26 =	sor.u32 $0x280, s11;
	v19 =	vor.u32 $0x80, v21;
	[tilespmem:s2+$0x0] =	vst v17;
	v7 =	vld.idx.msk [tilespmem:v7+s20+$0x0], $0xffff  }
0xe7: {  	s25 =	sor.u32 s6, s4;
	v11 =	vor.u32 $0x80, v10;
	v12 =	vld.idx.msk [tilespmem:v12+s20+$0x0], $0xffff;
	[tilespmem:s26+$0x10800] =	vst v9  }
0xe8: {  	s13 =	sor.u32 $0x280, s7;
	v9 =	vor.u32 $0x300, v4;
	[tilespmem:s25+$0x0] =	vst v13;
	v8 =	vld.idx.msk [tilespmem:v8+s20+$0x0], $0xffff  }
0xe9: {  	s23 =	sor.u32 s14, s4;
	v13 =	vld.idx.msk [tilespmem:v14+s20+$0x0], $0xffff;
	v14 =	vor.u32 $0x300, v3;
	[tilespmem:s13+$0x10800] =	vst v6  }
0xea: {  	s18 =	sor.u32 s16, s4;
	v5 =	vor.u32 $0x380, v5;
	v16 =	vld.idx.msk [tilespmem:v16+s20+$0x0], $0xffff;
	[tilespmem:s23+$0x0] =	vst v15  }
0xeb: {  	v17 =	vor.u32 $0x100, v2;
	s14 =	sor.u32 $0x280, s12;
	v15 =	vld.idx.msk [tilespmem:v19+s20+$0x0], $0xffff;
	[tilespmem:s18+$0x0] =	vst v18  }
0xec: {  	v19 =	vor.u32 $0x100, v1;
	[tilespmem:s14+$0x10800] =	vst v12;
	v20 =	vld.idx.msk [tilespmem:v11+s20+$0x0], $0xffff  }
0xed: {  	s16 =	sor.u32 $0x300, s11;
	v6 =	vor.u32 $0x100, v21;
	v22 =	vld.idx.msk [tilespmem:v9+s20+$0x0], $0xffff;
	[tilespmem:s2+$0x80] =	vst v8  }
0xee: {  	v23 =	vor.u32 $0x100, v10;
	v14 =	vld.idx.msk [tilespmem:v14+s20+$0x0], $0xffff;
	[tilespmem:s16+$0x10800] =	vst v13  }
0xef: {  	[tilespmem:s25+$0x80] =	vst v16;
	v16 =	vor.u32 $0x300, v0;
	v24 =	vld.idx.msk [tilespmem:v5+s20+$0x0], $0xffff  }
0xf0: {  	v25 =	vor.u32 $0x380, v4;
	v18 =	vld.idx.msk [tilespmem:v17+s20+$0x0], $0xffff;
	[tilespmem:s23+$0x80] =	vst v15  }
0xf1: {  	s22 =	sor.u32 $0x300, s7;
	v4 =	vor.u32 $0x380, v21;
	v17 =	vld.idx.msk [tilespmem:v19+s20+$0x0], $0xffff;
	s1 =	rddreg [dreg:$0x9];
	[tilespmem:s18+$0x80] =	vst v20  }
0xf2: {  	s17 =	sor.u32 $0x280, s10;
	v11 =	vor.u32 $0x200, v21;
	v8 =	vor.u32 $0x280, v21;
	v19 =	vld.idx.msk [tilespmem:v6+s20+$0x0], $0xffff;
	[tilespmem:s22+$0x10800] =	vst v22;
	v22 =	vor.u32 $0x180, v2  }
0xf3: {  	s31 =	simm.s32 $0x80;
	s6 =	simm.s32 $0x4;
	s30 =	sor.u32 $0x300, s10;
	v13 =	vor.u32 $0x180, v21;
	[tilespmem:s17+$0x10800] =	vst v7;
	v6 =	vor.u32 $0x300, v21;
	v21 =	vor.u32 $0x180, v1;
	v20 =	vld.idx.msk [tilespmem:v23+s20+$0x0], $0xffff  }
0xf4: {  	s28 =	sor.u32 $0x300, s12;
	s29 =	sor.u32 $0x380, s7;
	s26 =	sor.u32 $0x380, s11;
	v3 =	vor.u32 $0x380, v3;
	v12 =	vor.u32 $0x180, v10;
	v9 =	vor.u32 $0x200, v10;
	v15 =	vld.idx.msk [tilespmem:v16+s20+$0x0], $0xffff  }
0xf5: {  	s16 =	sor.u32 $0x380, s10;
	v5 =	vor.u32 $0x300, v10;
	v7 =	vor.u32 $0x280, v10;
	s17 =	sor.u32 $0x380, s12;
	v10 =	vor.u32 $0x380, v10;
	s9 =	sadd.s32 s3, s1;
	v16 =	vld.idx.msk [tilespmem:v25+s20+$0x0], $0xffff;
	[tilespmem:s26+$0x10800] =	vst v24  }
.LBB2_5:
0xf6: {  	v23 =	vld [tilespmem:s31+$0x0];
	[tilespmem:s25+$0x100] =	vst v18;
	s8 =	sadd.s32 $0x40, s8  }
0xf7: {  	s6 =	sadd.s32 $0x4, s6;
	s14 =	sand.u32 $0x40, s8;
	[tilespmem:s2+$0x100] =	vst v17;
	v17 =	vld.idx.msk [tilespmem:v22+s20+$0x0], $0xffff  }
0xf8: {  	s1 =	sand.u32 $0x780, s8;
	p2 =	slt.u32 s6, $0x7C;
	s10 =	sor.u32 $0x30, s14;
	v18 =	vld.idx.msk [tilespmem:v21+s20+$0x0], $0xffff;
	[tilespmem:s23+$0x100] =	vst v19  }
0xf9: {  	s12 =	sor.u32 $0x10, s14;
	s11 =	sor.u32 $0x20, s14;
	v19 =	vor.u32 $0x200, v2;
	s4 =	sor.u32 s10, s1;
	v13 =	vld.idx.msk [tilespmem:v13+s20+$0x0], $0xffff;
	[tilespmem:s18+$0x100] =	vst v20  }
0xfa: {  	v21 =	vor.u32 $0x200, v1;
	s7 =	sor.u32 s12, s1;
	s1 =	sor.u32 s11, s1;
	v20 =	vld [tilespmem:s4+$0x0];
	[tilespmem:s28+$0x10800] =	vst v14  }
0xfb: {  	v14 =	vld [tilespmem:s7+$0x0];
	[tilespmem:s30+$0x10800] =	vst v15  }
0xfc: {  	v15 =	vshll.u32 v23, $0x3;
	v22 =	vld [tilespmem:s1+$0x0];
	[tilespmem:s29+$0x10800] =	vst v16  }
0xfd: {  	v16 =	vand.u32 $0x7F, v23;
	v15 =	vand.u32 $0xFFFFFC00, v15;
	v12 =	vld.idx.msk [tilespmem:v12+s20+$0x0], $0xffff;
	[tilespmem:s25+$0x180] =	vst v17;
	v17 =	vor.u32 $0x380, v0;
	v0 =	vmovc v1  }
0xfe: {  	p1 =	por !p1, !p1;
	s1 =	simm.s32 $0x1;
	v1 =	vor.u32 v16, v15;
	[tilespmem:s2+$0x180] =	vst v18;
	v15 =	vld.idx.msk [tilespmem:v19+s20+$0x0], $0xffff  }
0xff: {  	s1 =	simm.s32 @!p1 $0x0;
	v16 =	vshll.u32 v20, $0x3;
	v18 =	vld.idx.msk [tilespmem:v21+s20+$0x0], $0xffff;
	[tilespmem:s23+$0x180] =	vst v13  }
0x100: {  	s1 =	sshll.u32 s1, $0x6;
	v13 =	vand.u32 $0x7F, v20;
	v16 =	vand.u32 $0xFFFFFC00, v16;
	v19 =	vld.idx.msk [tilespmem:v11+s20+$0x0], $0xffff;
	v11 =	vor.u32 $0x280, v2  }
0x101: {  	s2 =	sadd.s32 s1, s15;
	v20 =	vshll.u32 v14, $0x3;
	v21 =	vshll.u32 v22, $0x3;
	v16 =	vor.u32 v13, v16;
	v23 =	vld.idx.msk [tilespmem:v3+s20+$0x0], $0xffff;
	v3 =	vmovc v10  }
0x102: {  	s22 =	sadd.s32 $0x10, s2;
	s23 =	sadd.s32 $0x20, s2;
	s13 =	sadd.s32 $0x30, s2;
	v10 =	vand.u32 $0x7F, v14;
	v13 =	vand.u32 $0xFFFFFC00, v20;
	v14 =	vand.u32 $0xFFFFFC00, v21;
	v17 =	vld.idx.msk [tilespmem:v17+s20+$0x0], $0xffff  }
0x103: {  	s25 =	sor.u32 $0x200, s22;
	s1 =	sor.u32 $0x200, s13;
	v10 =	vor.u32 v10, v13;
	v13 =	vand.u32 $0x7F, v22;
	v21 =	vor.u32 $0x280, v0;
	v20 =	vld.idx.msk [tilespmem:v1+s20+$0x0], $0xffff;
	[tilespmem:s18+$0x180] =	vst v12;
	s18 =	sor.u32 $0x200, s23  }
0x104: {  	s7 =	sor.u32 $0x200, s2;
	s26 =	sor.u32 $0x280, s22;
	s4 =	sor.u32 $0x280, s23;
	v22 =	vor.u32 $0x80, v10;
	v24 =	vor.u32 $0x100, v10;
	v14 =	vor.u32 v13, v14;
	v25 =	vld.idx.msk [tilespmem:v9+s20+$0x0], $0xffff;
	[tilespmem:s1+$0x10800] =	vst v15  }
0x105: {  	s28 =	sor.u32 $0x300, s23;
	v13 =	vor.u32 $0x180, v10;
	v15 =	vor.u32 $0x80, v14;
	v26 =	vor.u32 $0x100, v14;
	s1 =	sor.u32 $0x280, s2;
	[tilespmem:s7+$0x10800] =	vst v18;
	s7 =	sor.u32 $0x300, s22;
	v18 =	vld.idx.msk [tilespmem:v11+s20+$0x0], $0xffff  }
0x106: {  	s30 =	sor.u32 $0x300, s2;
	s29 =	sor.u32 $0x380, s22;
	v12 =	vor.u32 $0x180, v14;
	v9 =	vor.u32 $0x200, v14;
	v11 =	vor.u32 $0x200, v10;
	s22 =	sor.u32 $0x380, s23;
	v27 =	vld.idx.msk [tilespmem:v16+s20+$0x0], $0xffff;
	[tilespmem:s25+$0x10800] =	vst v19  }
0x107: {  	v29 =	vor.u32 $0x300, v2;
	s2 =	sor.u32 $0x380, s2;
	v19 =	vor.u32 $0x280, v14;
	v28 =	vld.idx.msk [tilespmem:v8+s20+$0x0], $0xffff;
	v8 =	vor.u32 $0x280, v10;
	[tilespmem:s17+$0x10800] =	vst v23;
	s17 =	smov.u32 s22  }
0x108: {  	s15 =	sadd.s32 $0x200, s15;
	v32 =	vor.u32 $0x80, v16;
	v30 =	vor.u32 $0x300, v10;
	v31 =	vor.u32 $0x300, v14;
	v23 =	vld.idx.msk [tilespmem:v10+s20+$0x0], $0xffff;
	[tilespmem:s16+$0x10800] =	vst v17;
	s16 =	smov.u32 s2  }
0x109: {  	v33 =	vor.u32 $0x380, v10;
	s2 =	sand.u32 $0x3C00, s15;
	v17 =	vor.u32 $0x80, v1;
	v10 =	vor.u32 $0x380, v14;
	v34 =	vld.idx.msk [tilespmem:v14+s20+$0x0], $0xffff  }
0x10a: {  	s22 =	sadd.s32 $0x10800, s2;
	v35 =	vld.idx.msk [tilespmem:v21+s20+$0x0], $0xffff;
	[tilespmem:s18+$0x10800] =	vst v25;
	s18 =	sor.u32 $0x280, s13  }
0x10b: {  	s2 =	sor.u32 s14, s22;
	s23 =	sor.u32 s12, s22;
	s25 =	sor.u32 s10, s22;
	v14 =	vld.idx.msk [tilespmem:v7+s20+$0x0], $0xffff;
	[tilespmem:s18+$0x10800] =	vst v18;
	v7 =	vmov v19  }
0x10c: {  	s18 =	sor.u32 s11, s22;
	[tilespmem:s25+$0x0] =	vst v27;
	v18 =	vld.idx.msk [tilespmem:v29+s20+$0x0], $0xffff  }
0x10d: {  	[tilespmem:s2+$0x0] =	vst v20;
	v19 =	vld.idx.msk [tilespmem:v32+s20+$0x0], $0xffff  }
0x10e: {  	v20 =	vor.u32 $0x380, v2;
	v2 =	vmov v16;
	v17 =	vld.idx.msk [tilespmem:v17+s20+$0x0], $0xffff;
	[tilespmem:s23+$0x0] =	vst v23  }
0x10f: {  	v21 =	vor.u32 $0x100, v2;
	v16 =	vld.idx.msk [tilespmem:v22+s20+$0x0], $0xffff;
	[tilespmem:s18+$0x0] =	vst v34  }
0x110: {  	v22 =	vor.u32 $0x100, v1;
	v15 =	vld.idx.msk [tilespmem:v15+s20+$0x0], $0xffff;
	[tilespmem:s26+$0x10800] =	vst v28  }
0x111: {  	v23 =	vld.idx.msk [tilespmem:v6+s20+$0x0], $0xffff;
	[tilespmem:s4+$0x10800] =	vst v14;
	s4 =	sor.u32 $0x300, s13;
	v6 =	vmov v30  }
0x112: {  	v14 =	vld.idx.msk [tilespmem:v5+s20+$0x0], $0xffff;
	[tilespmem:s4+$0x10800] =	vst v18;
	v5 =	vmov v31  }
0x113: {  	v25 =	vor.u32 $0x300, v0;
	[tilespmem:s25+$0x80] =	vst v19;
	v27 =	vld.idx.msk [tilespmem:v20+s20+$0x0], $0xffff  }
0x114: {  	[tilespmem:s2+$0x80] =	vst v17;
	v18 =	vld.idx.msk [tilespmem:v21+s20+$0x0], $0xffff  }
.Ltmp1:
0x115: {  	v17 =	vld.idx.msk [tilespmem:v22+s20+$0x0], $0xffff;
	[tilespmem:s23+$0x80] =	vst v16;
	(pc) =	sbr.rel @p2 .LBB2_5-.Ltmp1, $4  }
0x116: {  	v22 =	vor.u32 $0x180, v2;
	v19 =	vld.idx.msk [tilespmem:v24+s20+$0x0], $0xffff;
	[tilespmem:s18+$0x80] =	vst v15  }
0x117: {  	v21 =	vor.u32 $0x180, v1;
	v20 =	vld.idx.msk [tilespmem:v26+s20+$0x0], $0xffff;
	[tilespmem:s1+$0x10800] =	vst v35  }
0x118: {  	s1 =	sor.u32 $0x380, s13;
	v15 =	vld.idx.msk [tilespmem:v25+s20+$0x0], $0xffff;
	[tilespmem:s7+$0x10800] =	vst v23  }
0x119: {  	s31 =	sadd.s32 $0x40, s31;
	v16 =	vld.idx.msk [tilespmem:v4+s20+$0x0], $0xffff;
	[tilespmem:s1+$0x10800] =	vst v27;
	v4 =	vmov v33  }
0x11a: {  	_ =	sdelay $0x2  }
0x11b: {  	[tilespmem:s25+$0x100] =	vst v18  }
0x11c: {  	v18 =	vld.idx.msk [tilespmem:v22+s20+$0x0], $0xffff;
	[tilespmem:s23+$0x100] =	vst v19  }
0x11d: {  	[tilespmem:s2+$0x100] =	vst v17;
	v19 =	vor.u32 $0x200, v2;
	v13 =	vld.idx.msk [tilespmem:v13+s20+$0x0], $0xffff  }
0x11e: {  	v17 =	vld.idx.msk [tilespmem:v21+s20+$0x0], $0xffff;
	[tilespmem:s18+$0x100] =	vst v20  }
0x11f: {  	v20 =	vor.u32 $0x200, v1;
	v12 =	vld.idx.msk [tilespmem:v12+s20+$0x0], $0xffff;
	_ =	sdelay $0x1  }
0x120: {  	p1 =	por !p1, !p1;
	s1 =	simm.s32 $0x1;
	[tilespmem:s25+$0x180] =	vst v18  }
0x121: {  	s1 =	simm.s32 @!p1 $0x0;
	v18 =	vld.idx.msk [tilespmem:v19+s20+$0x0], $0xffff;
	[tilespmem:s23+$0x180] =	vst v13  }
0x122: {  	s1 =	sshll.u32 s1, $0x6;
	[tilespmem:s2+$0x180] =	vst v17;
	v13 =	vor.u32 $0x280, v2;
	v11 =	vld.idx.msk [tilespmem:v11+s20+$0x0], $0xffff  }
0x123: {  	s1 =	sadd.s32 s1, s15;
	[tilespmem:s18+$0x180] =	vst v12;
	v12 =	vld.idx.msk [tilespmem:v20+s20+$0x0], $0xffff  }
0x124: {  	s10 =	sadd.s32 $0x30, s1;
	v17 =	vor.u32 $0x280, v1;
	v9 =	vld.idx.msk [tilespmem:v9+s20+$0x0], $0xffff  }
0x125: {  	s4 =	sadd.s32 $0x10, s1;
	s6 =	sor.u32 $0x200, s10  }
0x126: {  	s8 =	sor.u32 $0x200, s4;
	[tilespmem:s6+$0x10800] =	vst v18  }
0x127: {  	s7 =	sadd.s32 $0x20, s1;
	s12 =	sor.u32 $0x200, s1;
	v13 =	vld.idx.msk [tilespmem:v13+s20+$0x0], $0xffff;
	[tilespmem:s8+$0x10800] =	vst v11  }
0x128: {  	s11 =	sor.u32 $0x200, s7;
	v11 =	vor.u32 $0x300, v2;
	[tilespmem:s12+$0x10800] =	vst v12;
	v8 =	vld.idx.msk [tilespmem:v8+s20+$0x0], $0xffff  }
0x129: {  	[tilespmem:s11+$0x10800] =	vst v9;
	v9 =	vld.idx.msk [tilespmem:v17+s20+$0x0], $0xffff  }
0x12a: {  	v12 =	vor.u32 $0x300, v1;
	v7 =	vld.idx.msk [tilespmem:v7+s20+$0x0], $0xffff  }
0x12b: {  	[tilespmem:s28+$0x10800] =	vst v14;
	s13 =	sor.u32 $0x280, s10  }
0x12c: {  	s14 =	sor.u32 $0x280, s4;
	[tilespmem:s13+$0x10800] =	vst v13  }
0x12d: {  	v0 =	vor.u32 $0x380, v0;
	s18 =	sor.u32 $0x280, s1;
	v11 =	vld.idx.msk [tilespmem:v11+s20+$0x0], $0xffff;
	[tilespmem:s14+$0x10800] =	vst v8  }
0x12e: {  	s15 =	sor.u32 $0x280, s7;
	v2 =	vor.u32 $0x380, v2;
	[tilespmem:s18+$0x10800] =	vst v9;
	v6 =	vld.idx.msk [tilespmem:v6+s20+$0x0], $0xffff  }
0x12f: {  	[tilespmem:s15+$0x10800] =	vst v7;
	v7 =	vld.idx.msk [tilespmem:v12+s20+$0x0], $0xffff  }
0x130: {  	[tilespmem:s30+$0x10800] =	vst v15;
	v1 =	vor.u32 $0x380, v1;
	v5 =	vld.idx.msk [tilespmem:v5+s20+$0x0], $0xffff  }
0x131: {  	v3 =	vld.idx.msk [tilespmem:v3+s20+$0x0], $0xffff;
	[tilespmem:s29+$0x10800] =	vst v16;
	s22 =	sor.u32 $0x300, s10  }
0x132: {  	v0 =	vld.idx.msk [tilespmem:v0+s20+$0x0], $0xffff;
	s23 =	sor.u32 $0x300, s4;
	[tilespmem:s22+$0x10800] =	vst v11  }
0x133: {  	s26 =	sor.u32 $0x300, s1;
	v2 =	vld.idx.msk [tilespmem:v2+s20+$0x0], $0xffff;
	[tilespmem:s23+$0x10800] =	vst v6  }
0x134: {  	s25 =	sor.u32 $0x300, s7;
	[tilespmem:s26+$0x10800] =	vst v7;
	v4 =	vld.idx.msk [tilespmem:v4+s20+$0x0], $0xffff  }
0x135: {  	[tilespmem:s25+$0x10800] =	vst v5;
	v1 =	vld.idx.msk [tilespmem:v1+s20+$0x0], $0xffff  }
0x136: {  	[tilespmem:s17+$0x10800] =	vst v3;
	v5 =	vld.idx.msk [tilespmem:v10+s20+$0x0], $0xffff  }
0x137: {  	s2 =	sor.u32 $0x380, s10;
	[tilespmem:s16+$0x10800] =	vst v0  }
0x138: {  	s4 =	sor.u32 $0x380, s4;
	[tilespmem:s2+$0x10800] =	vst v2  }
0x139: {  	s1 =	sor.u32 $0x380, s1;
	s6 =	sor.u32 $0x380, s7;
	s7 =	sshll.u32 s9, $0xB;
	[tilespmem:s4+$0x10800] =	vst v4  }
0x13a: {  	s9 =	rddreg [dreg:$0x2];
	s8 =	sand.u32 $0x1FFFF800, s7;
	[tilespmem:s1+$0x10800] =	vst v1  }
0x13b: {  	s10 =	simm.s32 $0x10800;
	s1 =	sadd.s32 s9, s8;
	[tilespmem:s6+$0x10800] =	vst v5  }
0x13c: {  	[hbm4b:s1+s5] =	stream.linear.scatter [tilespmem:s10], [sflag:$0x5], $0x4000, $0x38;
	[tilespmem:$0x18800] =	vst v63  }
0x13d: {  	s11 =	rddreg [dreg:$0xa]  }
0x13e: {  	s1 =	sadd.s32 s3, s11  }
0x13f: {  	s1 =	sshll.u32 s1, $0xB  }
0x140: {  	s12 =	rddreg [dreg:$0x0];
	s1 =	sand.u32 $0x1FFFF800, s1  }
0x141: {  	s13 =	simm.s32 $0x3;
	s1 =	sadd.s32 s12, s1  }
0x142: {  	[tilespmem:s20], [sflag:$0x2] =	stream.linear.gather [hbm4b:s1+s5], $0x4000, $0x38;
	[tilespmem:$0x18800] =	vst v63  }
0x143: {  	_ =	swait.ge [sflag:s13], $0x4000  }
0x144: {  	[sflag:s13] =	ssyncset.done $0x0  }
0x145: {  	s14 =	simm.s32 $0x0;
	s1 =	simm.s32 @!p0 $0x6;
	[sflag:s13] =	ssyncadd.s32 $0xFFFFC000  }
0x146: {  	s15 =	sand.u32 $0x40, s14;
	_ =	swait.ge @!p0 [sflag:s1], $0x4000  }
0x147: {  	s16 =	sand.u32 $0x780, s14;
	s17 =	sor.u32 $0x30, s15;
	[sflag:s1] =	ssyncset.done @!p0 $0x0  }
0x148: {  	s18 =	sor.u32 s17, s16;
	[sflag:s1] =	ssyncadd.s32 @!p0 $0xFFFFC000  }
0x149: {  	v0 =	vld [tilespmem:s18+$0x0]  }
0x14a: {  	s22 =	sor.u32 $0x10, s15;
	v1 =	vld [tilespmem:s14+$0x0]  }
0x14b: {  	s23 =	sor.u32 $0x20, s15;
	s25 =	sor.u32 s22, s16  }
0x14c: {  	s6 =	sor.u32 s23, s16;
	v2 =	vld [tilespmem:s25+$0x0]  }
0x14d: {  	v3 =	vld [tilespmem:s6+$0x0]  }
0x14e: {  	v4 =	vshll.u32 v0, $0x3  }
0x14f: {  	v5 =	vshll.u32 v1, $0x3;
	v0 =	vand.u32 $0x7F, v0;
	v4 =	vand.u32 $0xFFFFFC00, v4  }
0x150: {  	v1 =	vand.u32 $0x7F, v1;
	v6 =	vand.u32 $0xFFFFFC00, v5;
	v5 =	vor.u32 v0, v4  }
0x151: {  	v0 =	vor.u32 v1, v6;
	v1 =	vshll.u32 v2, $0x3  }
0x152: {  	v4 =	vshll.u32 v3, $0x3;
	v2 =	vand.u32 $0x7F, v2;
	v1 =	vand.u32 $0xFFFFFC00, v1  }
0x153: {  	v6 =	vand.u32 $0xFFFFFC00, v4;
	v4 =	vor.u32 v2, v1;
	v1 =	vand.u32 $0x7F, v3  }
0x154: {  	v3 =	vor.u32 v1, v6  }
0x155: {  	v1 =	vld.idx.msk [tilespmem:v5+s21+$0x0], $0xffff  }
0x156: {  	v6 =	vor.u32 $0x80, v5;
	v2 =	vld.idx.msk [tilespmem:v0+s21+$0x0], $0xffff  }
0x157: {  	s2 =	sand.u32 $0x3C00, s14;
	v7 =	vor.u32 $0x80, v0  }
0x158: {  	s2 =	sadd.s32 $0x14800, s2;
	v8 =	vld.idx.msk [tilespmem:v4+s21+$0x0], $0xffff  }
0x159: {  	s10 =	sor.u32 s17, s2;
	v9 =	vor.u32 $0x80, v4;
	v10 =	vld.idx.msk [tilespmem:v3+s21+$0x0], $0xffff  }
0x15a: {  	s26 =	sor.u32 s15, s2;
	v11 =	vor.u32 $0x80, v3;
	[tilespmem:s10+$0x0] =	vst v1  }
0x15b: {  	[tilespmem:s26+$0x0] =	vst v2;
	v1 =	vld.idx.msk [tilespmem:v6+s21+$0x0], $0xffff  }
0x15c: {  	s11 =	sor.u32 s22, s2;
	v2 =	vld.idx.msk [tilespmem:v7+s21+$0x0], $0xffff;
	v6 =	vor.u32 $0x100, v5  }
0x15d: {  	s2 =	sor.u32 s23, s2;
	v7 =	vor.u32 $0x100, v0;
	[tilespmem:s11+$0x0] =	vst v8  }
0x15e: {  	v8 =	vld.idx.msk [tilespmem:v9+s21+$0x0], $0xffff;
	[tilespmem:s2+$0x0] =	vst v10  }
0x15f: {  	v9 =	vor.u32 $0x100, v4;
	v10 =	vld.idx.msk [tilespmem:v11+s21+$0x0], $0xffff  }
0x160: {  	v11 =	vor.u32 $0x100, v3;
	[tilespmem:s10+$0x80] =	vst v1  }
0x161: {  	[tilespmem:s26+$0x80] =	vst v2;
	v1 =	vld.idx.msk [tilespmem:v6+s21+$0x0], $0xffff  }
0x162: {  	v2 =	vld.idx.msk [tilespmem:v7+s21+$0x0], $0xffff;
	v6 =	vor.u32 $0x180, v5  }
0x163: {  	v7 =	vor.u32 $0x180, v0;
	[tilespmem:s11+$0x80] =	vst v8  }
0x164: {  	v8 =	vld.idx.msk [tilespmem:v9+s21+$0x0], $0xffff;
	[tilespmem:s2+$0x80] =	vst v10  }
0x165: {  	s8 =	simm.s32 $0x40;
	v9 =	vor.u32 $0x180, v4;
	v10 =	vld.idx.msk [tilespmem:v11+s21+$0x0], $0xffff  }
0x166: {  	s1 =	sand.u32 $0x40, s8;
	v11 =	vld [tilespmem:s8+$0x0];
	[tilespmem:s10+$0x100] =	vst v1  }
0x167: {  	s12 =	sand.u32 $0x780, s8;
	s6 =	sor.u32 $0x30, s1;
	[tilespmem:s26+$0x100] =	vst v2;
	v1 =	vld.idx.msk [tilespmem:v6+s21+$0x0], $0xffff  }
0x168: {  	s13 =	sor.u32 s6, s12;
	v2 =	vor.u32 $0x180, v3;
	v6 =	vld.idx.msk [tilespmem:v7+s21+$0x0], $0xffff  }
0x169: {  	s14 =	sor.u32 $0x10, s1;
	v7 =	vor.u32 $0x200, v5;
	[tilespmem:s11+$0x100] =	vst v8;
	v8 =	vld [tilespmem:s13+$0x0]  }
0x16a: {  	s16 =	sor.u32 $0x20, s1;
	s13 =	sor.u32 s14, s12;
	v9 =	vld.idx.msk [tilespmem:v9+s21+$0x0], $0xffff  }
0x16b: {  	v12 =	vor.u32 $0x200, v4;
	s12 =	sor.u32 s16, s12;
	v13 =	vld [tilespmem:s13+$0x0];
	v14 =	vshll.u32 v11, $0x3  }
0x16c: {  	[tilespmem:s2+$0x100] =	vst v10;
	v10 =	vor.u32 $0x200, v0;
	v15 =	vld [tilespmem:s12+$0x0];
	v11 =	vand.u32 $0x7F, v11;
	v14 =	vand.u32 $0xFFFFFC00, v14  }
0x16d: {  	p0 =	por $0x0, $0x0;
	v16 =	vld.idx.msk [tilespmem:v2+s21+$0x0], $0xffff;
	[tilespmem:s10+$0x180] =	vst v1;
	v1 =	vor.u32 v11, v14;
	s10 =	simm.s32 $0x1  }
0x16e: {  	v11 =	vor.u32 $0x200, v3;
	v7 =	vld.idx.msk [tilespmem:v7+s21+$0x0], $0xffff;
	v2 =	vshll.u32 v8, $0x3;
	s10 =	simm.s32 @!p0 $0x0  }
0x16f: {  	v8 =	vand.u32 $0x7F, v8;
	[tilespmem:s11+$0x180] =	vst v9;
	v2 =	vand.u32 $0xFFFFFC00, v2;
	s10 =	sshll.u32 s10, $0x6;
	v9 =	vor.u32 $0x280, v5  }
0x170: {  	v14 =	vor.u32 $0x280, v4;
	[tilespmem:s26+$0x180] =	vst v6;
	v6 =	vld.idx.msk [tilespmem:v12+s21+$0x0], $0xffff;
	v12 =	vshll.u32 v13, $0x3;
	v2 =	vor.u32 v8, v2;
	s10 =	sadd.s32 $0x0, s10  }
0x171: {  	v8 =	vld.idx.msk [tilespmem:v10+s21+$0x0], $0xffff;
	v10 =	vshll.u32 v15, $0x3;
	v13 =	vand.u32 $0x7F, v13;
	v12 =	vand.u32 $0xFFFFFC00, v12;
	s11 =	sadd.s32 $0x30, s10  }
0x172: {  	v10 =	vand.u32 $0xFFFFFC00, v10;
	[tilespmem:s2+$0x180] =	vst v16;
	v17 =	vld.idx.msk [tilespmem:v1+s21+$0x0], $0xffff;
	v21 =	vor.u32 v13, v12;
	v12 =	vand.u32 $0x7F, v15;
	s17 =	sor.u32 $0x200, s11  }
0x173: {  	s7 =	sadd.s32 $0x10, s10;
	v11 =	vld.idx.msk [tilespmem:v11+s21+$0x0], $0xffff;
	v10 =	vor.u32 v12, v10;
	[tilespmem:s17+$0x14800] =	vst v7  }
0x174: {  	s18 =	sor.u32 $0x200, s7;
	v7 =	vor.u32 $0x280, v0;
	v9 =	vld.idx.msk [tilespmem:v9+s21+$0x0], $0xffff  }
0x175: {  	s15 =	simm.s32 $0x200;
	s22 =	sor.u32 $0x200, s10;
	v12 =	vor.u32 $0x280, v3;
	v13 =	vld.idx.msk [tilespmem:v2+s21+$0x0], $0xffff;
	[tilespmem:s18+$0x14800] =	vst v6  }
0x176: {  	s25 =	sand.u32 $0x3C00, s15;
	s12 =	sadd.s32 $0x20, s10;
	[tilespmem:s22+$0x14800] =	vst v8;
	v8 =	vor.u32 $0x80, v1;
	v6 =	vld.idx.msk [tilespmem:v14+s21+$0x0], $0xffff  }
0x177: {  	s4 =	sadd.s32 $0x14800, s25;
	s23 =	sor.u32 $0x200, s12;
	v14 =	vor.u32 $0x300, v5;
	v15 =	vld.idx.msk [tilespmem:v21+s21+$0x0], $0xffff  }
0x178: {  	v16 =	vor.u32 $0x80, v2;
	s2 =	sor.u32 s1, s4;
	[tilespmem:s23+$0x14800] =	vst v11;
	v18 =	vld.idx.msk [tilespmem:v10+s21+$0x0], $0xffff  }
0x179: {  	s26 =	sor.u32 $0x280, s11;
	v19 =	vor.u32 $0x80, v21;
	[tilespmem:s2+$0x0] =	vst v17;
	v7 =	vld.idx.msk [tilespmem:v7+s21+$0x0], $0xffff  }
0x17a: {  	s25 =	sor.u32 s6, s4;
	v11 =	vor.u32 $0x80, v10;
	v12 =	vld.idx.msk [tilespmem:v12+s21+$0x0], $0xffff;
	[tilespmem:s26+$0x14800] =	vst v9  }
0x17b: {  	s13 =	sor.u32 $0x280, s7;
	v9 =	vor.u32 $0x300, v4;
	[tilespmem:s25+$0x0] =	vst v13;
	v8 =	vld.idx.msk [tilespmem:v8+s21+$0x0], $0xffff  }
0x17c: {  	s23 =	sor.u32 s14, s4;
	v13 =	vld.idx.msk [tilespmem:v14+s21+$0x0], $0xffff;
	v14 =	vor.u32 $0x300, v3;
	[tilespmem:s13+$0x14800] =	vst v6  }
0x17d: {  	s18 =	sor.u32 s16, s4;
	v5 =	vor.u32 $0x380, v5;
	v16 =	vld.idx.msk [tilespmem:v16+s21+$0x0], $0xffff;
	[tilespmem:s23+$0x0] =	vst v15  }
0x17e: {  	v17 =	vor.u32 $0x100, v2;
	s14 =	sor.u32 $0x280, s12;
	v15 =	vld.idx.msk [tilespmem:v19+s21+$0x0], $0xffff;
	[tilespmem:s18+$0x0] =	vst v18  }
0x17f: {  	v19 =	vor.u32 $0x100, v1;
	[tilespmem:s14+$0x14800] =	vst v12;
	v20 =	vld.idx.msk [tilespmem:v11+s21+$0x0], $0xffff  }
0x180: {  	s16 =	sor.u32 $0x300, s11;
	v6 =	vor.u32 $0x100, v21;
	v22 =	vld.idx.msk [tilespmem:v9+s21+$0x0], $0xffff;
	[tilespmem:s2+$0x80] =	vst v8  }
0x181: {  	v23 =	vor.u32 $0x100, v10;
	v14 =	vld.idx.msk [tilespmem:v14+s21+$0x0], $0xffff;
	[tilespmem:s16+$0x14800] =	vst v13  }
0x182: {  	[tilespmem:s25+$0x80] =	vst v16;
	v16 =	vor.u32 $0x300, v0;
	v24 =	vld.idx.msk [tilespmem:v5+s21+$0x0], $0xffff  }
0x183: {  	v25 =	vor.u32 $0x380, v4;
	v18 =	vld.idx.msk [tilespmem:v17+s21+$0x0], $0xffff;
	[tilespmem:s23+$0x80] =	vst v15  }
0x184: {  	s22 =	sor.u32 $0x300, s7;
	v4 =	vor.u32 $0x380, v21;
	v17 =	vld.idx.msk [tilespmem:v19+s21+$0x0], $0xffff;
	s1 =	rddreg [dreg:$0xb];
	[tilespmem:s18+$0x80] =	vst v20  }
0x185: {  	s17 =	sor.u32 $0x280, s10;
	v11 =	vor.u32 $0x200, v21;
	v8 =	vor.u32 $0x280, v21;
	v19 =	vld.idx.msk [tilespmem:v6+s21+$0x0], $0xffff;
	[tilespmem:s22+$0x14800] =	vst v22;
	v22 =	vor.u32 $0x180, v2  }
0x186: {  	s31 =	simm.s32 $0x80;
	s6 =	simm.s32 $0x4;
	s30 =	sor.u32 $0x300, s10;
	v13 =	vor.u32 $0x180, v21;
	[tilespmem:s17+$0x14800] =	vst v7;
	v6 =	vor.u32 $0x300, v21;
	v21 =	vor.u32 $0x180, v1;
	v20 =	vld.idx.msk [tilespmem:v23+s21+$0x0], $0xffff  }
0x187: {  	s28 =	sor.u32 $0x300, s12;
	s29 =	sor.u32 $0x380, s7;
	s26 =	sor.u32 $0x380, s11;
	v3 =	vor.u32 $0x380, v3;
	v12 =	vor.u32 $0x180, v10;
	v9 =	vor.u32 $0x200, v10;
	v15 =	vld.idx.msk [tilespmem:v16+s21+$0x0], $0xffff  }
0x188: {  	s16 =	sor.u32 $0x380, s10;
	v5 =	vor.u32 $0x300, v10;
	v7 =	vor.u32 $0x280, v10;
	s17 =	sor.u32 $0x380, s12;
	v10 =	vor.u32 $0x380, v10;
	s9 =	sadd.s32 s3, s1;
	v16 =	vld.idx.msk [tilespmem:v25+s21+$0x0], $0xffff;
	[tilespmem:s26+$0x14800] =	vst v24  }
.LBB2_7:
0x189: {  	v23 =	vld [tilespmem:s31+$0x0];
	[tilespmem:s25+$0x100] =	vst v18;
	s8 =	sadd.s32 $0x40, s8  }
0x18a: {  	s6 =	sadd.s32 $0x4, s6;
	s14 =	sand.u32 $0x40, s8;
	[tilespmem:s2+$0x100] =	vst v17;
	v17 =	vld.idx.msk [tilespmem:v22+s21+$0x0], $0xffff  }
0x18b: {  	s1 =	sand.u32 $0x780, s8;
	p1 =	slt.u32 s6, $0x7C;
	s10 =	sor.u32 $0x30, s14;
	v18 =	vld.idx.msk [tilespmem:v21+s21+$0x0], $0xffff;
	[tilespmem:s23+$0x100] =	vst v19  }
0x18c: {  	s12 =	sor.u32 $0x10, s14;
	s11 =	sor.u32 $0x20, s14;
	v19 =	vor.u32 $0x200, v2;
	s4 =	sor.u32 s10, s1;
	v13 =	vld.idx.msk [tilespmem:v13+s21+$0x0], $0xffff;
	[tilespmem:s18+$0x100] =	vst v20  }
0x18d: {  	v21 =	vor.u32 $0x200, v1;
	s7 =	sor.u32 s12, s1;
	s1 =	sor.u32 s11, s1;
	v20 =	vld [tilespmem:s4+$0x0];
	[tilespmem:s28+$0x14800] =	vst v14  }
0x18e: {  	v14 =	vld [tilespmem:s7+$0x0];
	[tilespmem:s30+$0x14800] =	vst v15  }
0x18f: {  	v15 =	vshll.u32 v23, $0x3;
	v22 =	vld [tilespmem:s1+$0x0];
	[tilespmem:s29+$0x14800] =	vst v16  }
0x190: {  	v16 =	vand.u32 $0x7F, v23;
	v15 =	vand.u32 $0xFFFFFC00, v15;
	v12 =	vld.idx.msk [tilespmem:v12+s21+$0x0], $0xffff;
	[tilespmem:s25+$0x180] =	vst v17;
	v17 =	vor.u32 $0x380, v0;
	v0 =	vmovc v1  }
0x191: {  	p0 =	por !p0, !p0;
	s1 =	simm.s32 $0x1;
	v1 =	vor.u32 v16, v15;
	[tilespmem:s2+$0x180] =	vst v18;
	v15 =	vld.idx.msk [tilespmem:v19+s21+$0x0], $0xffff  }
0x192: {  	s1 =	simm.s32 @!p0 $0x0;
	v16 =	vshll.u32 v20, $0x3;
	v18 =	vld.idx.msk [tilespmem:v21+s21+$0x0], $0xffff;
	[tilespmem:s23+$0x180] =	vst v13  }
0x193: {  	s1 =	sshll.u32 s1, $0x6;
	v13 =	vand.u32 $0x7F, v20;
	v16 =	vand.u32 $0xFFFFFC00, v16;
	v19 =	vld.idx.msk [tilespmem:v11+s21+$0x0], $0xffff;
	v11 =	vor.u32 $0x280, v2  }
0x194: {  	s2 =	sadd.s32 s1, s15;
	v20 =	vshll.u32 v14, $0x3;
	v21 =	vshll.u32 v22, $0x3;
	v16 =	vor.u32 v13, v16;
	v23 =	vld.idx.msk [tilespmem:v3+s21+$0x0], $0xffff;
	v3 =	vmovc v10  }
0x195: {  	s22 =	sadd.s32 $0x10, s2;
	s23 =	sadd.s32 $0x20, s2;
	s13 =	sadd.s32 $0x30, s2;
	v10 =	vand.u32 $0x7F, v14;
	v13 =	vand.u32 $0xFFFFFC00, v20;
	v14 =	vand.u32 $0xFFFFFC00, v21;
	v17 =	vld.idx.msk [tilespmem:v17+s21+$0x0], $0xffff  }
0x196: {  	s25 =	sor.u32 $0x200, s22;
	s1 =	sor.u32 $0x200, s13;
	v10 =	vor.u32 v10, v13;
	v13 =	vand.u32 $0x7F, v22;
	v21 =	vor.u32 $0x280, v0;
	v20 =	vld.idx.msk [tilespmem:v1+s21+$0x0], $0xffff;
	[tilespmem:s18+$0x180] =	vst v12;
	s18 =	sor.u32 $0x200, s23  }
0x197: {  	s7 =	sor.u32 $0x200, s2;
	s26 =	sor.u32 $0x280, s22;
	s4 =	sor.u32 $0x280, s23;
	v22 =	vor.u32 $0x80, v10;
	v24 =	vor.u32 $0x100, v10;
	v14 =	vor.u32 v13, v14;
	v25 =	vld.idx.msk [tilespmem:v9+s21+$0x0], $0xffff;
	[tilespmem:s1+$0x14800] =	vst v15  }
0x198: {  	s28 =	sor.u32 $0x300, s23;
	v13 =	vor.u32 $0x180, v10;
	v15 =	vor.u32 $0x80, v14;
	v26 =	vor.u32 $0x100, v14;
	s1 =	sor.u32 $0x280, s2;
	[tilespmem:s7+$0x14800] =	vst v18;
	s7 =	sor.u32 $0x300, s22;
	v18 =	vld.idx.msk [tilespmem:v11+s21+$0x0], $0xffff  }
0x199: {  	s30 =	sor.u32 $0x300, s2;
	s29 =	sor.u32 $0x380, s22;
	v12 =	vor.u32 $0x180, v14;
	v9 =	vor.u32 $0x200, v14;
	v11 =	vor.u32 $0x200, v10;
	s22 =	sor.u32 $0x380, s23;
	v27 =	vld.idx.msk [tilespmem:v16+s21+$0x0], $0xffff;
	[tilespmem:s25+$0x14800] =	vst v19  }
0x19a: {  	v29 =	vor.u32 $0x300, v2;
	s2 =	sor.u32 $0x380, s2;
	v19 =	vor.u32 $0x280, v14;
	v28 =	vld.idx.msk [tilespmem:v8+s21+$0x0], $0xffff;
	v8 =	vor.u32 $0x280, v10;
	[tilespmem:s17+$0x14800] =	vst v23;
	s17 =	smov.u32 s22  }
0x19b: {  	s15 =	sadd.s32 $0x200, s15;
	v32 =	vor.u32 $0x80, v16;
	v30 =	vor.u32 $0x300, v10;
	v31 =	vor.u32 $0x300, v14;
	v23 =	vld.idx.msk [tilespmem:v10+s21+$0x0], $0xffff;
	[tilespmem:s16+$0x14800] =	vst v17;
	s16 =	smov.u32 s2  }
0x19c: {  	v33 =	vor.u32 $0x380, v10;
	s2 =	sand.u32 $0x3C00, s15;
	v17 =	vor.u32 $0x80, v1;
	v10 =	vor.u32 $0x380, v14;
	v34 =	vld.idx.msk [tilespmem:v14+s21+$0x0], $0xffff  }
0x19d: {  	s22 =	sadd.s32 $0x14800, s2;
	v35 =	vld.idx.msk [tilespmem:v21+s21+$0x0], $0xffff;
	[tilespmem:s18+$0x14800] =	vst v25;
	s18 =	sor.u32 $0x280, s13  }
0x19e: {  	s2 =	sor.u32 s14, s22;
	s23 =	sor.u32 s12, s22;
	s25 =	sor.u32 s10, s22;
	v14 =	vld.idx.msk [tilespmem:v7+s21+$0x0], $0xffff;
	[tilespmem:s18+$0x14800] =	vst v18;
	v7 =	vmov v19  }
0x19f: {  	s18 =	sor.u32 s11, s22;
	[tilespmem:s25+$0x0] =	vst v27;
	v18 =	vld.idx.msk [tilespmem:v29+s21+$0x0], $0xffff  }
0x1a0: {  	[tilespmem:s2+$0x0] =	vst v20;
	v19 =	vld.idx.msk [tilespmem:v32+s21+$0x0], $0xffff  }
0x1a1: {  	v20 =	vor.u32 $0x380, v2;
	v2 =	vmov v16;
	v17 =	vld.idx.msk [tilespmem:v17+s21+$0x0], $0xffff;
	[tilespmem:s23+$0x0] =	vst v23  }
0x1a2: {  	v21 =	vor.u32 $0x100, v2;
	v16 =	vld.idx.msk [tilespmem:v22+s21+$0x0], $0xffff;
	[tilespmem:s18+$0x0] =	vst v34  }
0x1a3: {  	v22 =	vor.u32 $0x100, v1;
	v15 =	vld.idx.msk [tilespmem:v15+s21+$0x0], $0xffff;
	[tilespmem:s26+$0x14800] =	vst v28  }
0x1a4: {  	v23 =	vld.idx.msk [tilespmem:v6+s21+$0x0], $0xffff;
	[tilespmem:s4+$0x14800] =	vst v14;
	s4 =	sor.u32 $0x300, s13;
	v6 =	vmov v30  }
0x1a5: {  	v14 =	vld.idx.msk [tilespmem:v5+s21+$0x0], $0xffff;
	[tilespmem:s4+$0x14800] =	vst v18;
	v5 =	vmov v31  }
0x1a6: {  	v25 =	vor.u32 $0x300, v0;
	[tilespmem:s25+$0x80] =	vst v19;
	v27 =	vld.idx.msk [tilespmem:v20+s21+$0x0], $0xffff  }
0x1a7: {  	[tilespmem:s2+$0x80] =	vst v17;
	v18 =	vld.idx.msk [tilespmem:v21+s21+$0x0], $0xffff  }
.Ltmp2:
0x1a8: {  	v17 =	vld.idx.msk [tilespmem:v22+s21+$0x0], $0xffff;
	[tilespmem:s23+$0x80] =	vst v16;
	(pc) =	sbr.rel @p1 .LBB2_7-.Ltmp2, $4  }
0x1a9: {  	v22 =	vor.u32 $0x180, v2;
	v19 =	vld.idx.msk [tilespmem:v24+s21+$0x0], $0xffff;
	[tilespmem:s18+$0x80] =	vst v15  }
0x1aa: {  	v21 =	vor.u32 $0x180, v1;
	v20 =	vld.idx.msk [tilespmem:v26+s21+$0x0], $0xffff;
	[tilespmem:s1+$0x14800] =	vst v35  }
0x1ab: {  	s1 =	sor.u32 $0x380, s13;
	v15 =	vld.idx.msk [tilespmem:v25+s21+$0x0], $0xffff;
	[tilespmem:s7+$0x14800] =	vst v23  }
0x1ac: {  	s31 =	sadd.s32 $0x40, s31;
	v16 =	vld.idx.msk [tilespmem:v4+s21+$0x0], $0xffff;
	[tilespmem:s1+$0x14800] =	vst v27;
	v4 =	vmov v33  }
0x1ad: {  	_ =	sdelay $0x2  }
0x1ae: {  	[tilespmem:s25+$0x100] =	vst v18  }
0x1af: {  	[tilespmem:s2+$0x100] =	vst v17;
	v18 =	vld.idx.msk [tilespmem:v22+s21+$0x0], $0xffff  }
0x1b0: {  	v53 =	vor.u32 $0x200, v2;
	[tilespmem:s23+$0x100] =	vst v19;
	v17 =	vld.idx.msk [tilespmem:v21+s21+$0x0], $0xffff  }
0x1b1: {  	v54 =	vor.u32 $0x200, v1;
	v13 =	vld.idx.msk [tilespmem:v13+s21+$0x0], $0xffff;
	[tilespmem:s18+$0x100] =	vst v20  }
0x1b2: {  	v12 =	vld.idx.msk [tilespmem:v12+s21+$0x0], $0xffff;
	_ =	sdelay $0x1  }
0x1b3: {  	p0 =	por !p0, !p0;
	s1 =	simm.s32 $0x1;
	[tilespmem:s25+$0x180] =	vst v18  }
0x1b4: {  	s1 =	simm.s32 @!p0 $0x0;
	[tilespmem:s2+$0x180] =	vst v17;
	v18 =	vld.idx.msk [tilespmem:v53+s21+$0x0], $0xffff  }
0x1b5: {  	v55 =	vor.u32 $0x280, v2;
	s1 =	sshll.u32 s1, $0x6;
	[tilespmem:s23+$0x180] =	vst v13;
	v56 =	vld.idx.msk [tilespmem:v54+s21+$0x0], $0xffff  }
0x1b6: {  	v57 =	vor.u32 $0x280, v1;
	s1 =	sadd.s32 s1, s15;
	v11 =	vld.idx.msk [tilespmem:v11+s21+$0x0], $0xffff;
	[tilespmem:s18+$0x180] =	vst v12  }
0x1b7: {  	s31 =	sadd.s32 $0x30, s1;
	v9 =	vld.idx.msk [tilespmem:v9+s21+$0x0], $0xffff  }
0x1b8: {  	s6 =	sor.u32 $0x200, s31  }
0x1b9: {  	s4 =	sadd.s32 $0x10, s1;
	s11 =	sor.u32 $0x200, s1;
	[tilespmem:s6+$0x14800] =	vst v18  }
0x1ba: {  	s7 =	sadd.s32 $0x20, s1;
	s8 =	sor.u32 $0x200, s4;
	[tilespmem:s11+$0x14800] =	vst v56;
	v13 =	vld.idx.msk [tilespmem:v55+s21+$0x0], $0xffff  }
0x1bb: {  	v58 =	vor.u32 $0x300, v2;
	s10 =	sor.u32 $0x200, s7;
	[tilespmem:s8+$0x14800] =	vst v11;
	v59 =	vld.idx.msk [tilespmem:v57+s21+$0x0], $0xffff  }
0x1bc: {  	v60 =	vor.u32 $0x300, v1;
	v8 =	vld.idx.msk [tilespmem:v8+s21+$0x0], $0xffff;
	[tilespmem:s10+$0x14800] =	vst v9  }
0x1bd: {  	v7 =	vld.idx.msk [tilespmem:v7+s21+$0x0], $0xffff  }
0x1be: {  	[tilespmem:s28+$0x14800] =	vst v14;
	s12 =	sor.u32 $0x280, s31  }
0x1bf: {  	s15 =	sor.u32 $0x280, s1;
	[tilespmem:s12+$0x14800] =	vst v13  }
0x1c0: {  	v0 =	vor.u32 $0x380, v0;
	s13 =	sor.u32 $0x280, s4;
	[tilespmem:s15+$0x14800] =	vst v59;
	v11 =	vld.idx.msk [tilespmem:v58+s21+$0x0], $0xffff  }
0x1c1: {  	v61 =	vor.u32 $0x380, v2;
	s14 =	sor.u32 $0x280, s7;
	[tilespmem:s13+$0x14800] =	vst v8;
	v62 =	vld.idx.msk [tilespmem:v60+s21+$0x0], $0xffff  }
0x1c2: {  	v63 =	vor.u32 $0x380, v1;
	v6 =	vld.idx.msk [tilespmem:v6+s21+$0x0], $0xffff;
	[tilespmem:s14+$0x14800] =	vst v7  }
0x1c3: {  	[tilespmem:s30+$0x14800] =	vst v15;
	v5 =	vld.idx.msk [tilespmem:v5+s21+$0x0], $0xffff  }
0x1c4: {  	v3 =	vld.idx.msk [tilespmem:v3+s21+$0x0], $0xffff;
	[tilespmem:s29+$0x14800] =	vst v16;
	s18 =	sor.u32 $0x300, s31  }
0x1c5: {  	v0 =	vld.idx.msk [tilespmem:v0+s21+$0x0], $0xffff;
	s25 =	sor.u32 $0x300, s1;
	[tilespmem:s18+$0x14800] =	vst v11  }
0x1c6: {  	s22 =	sor.u32 $0x300, s4;
	[tilespmem:s25+$0x14800] =	vst v62;
	v2 =	vld.idx.msk [tilespmem:v61+s21+$0x0], $0xffff  }
0x1c7: {  	s23 =	sor.u32 $0x300, s7;
	[tilespmem:s22+$0x14800] =	vst v6;
	v1 =	vld.idx.msk [tilespmem:v63+s21+$0x0], $0xffff  }
0x1c8: {  	v4 =	vld.idx.msk [tilespmem:v4+s21+$0x0], $0xffff;
	[tilespmem:s23+$0x14800] =	vst v5  }
0x1c9: {  	[tilespmem:s17+$0x14800] =	vst v3;
	v5 =	vld.idx.msk [tilespmem:v10+s21+$0x0], $0xffff  }
0x1ca: {  	p0 =	seq.s32 s0, $0x9;
	s2 =	sor.u32 $0x380, s31;
	[tilespmem:s16+$0x14800] =	vst v0  }
.Ltmp3:
0x1cb: {  	s1 =	sor.u32 $0x380, s1;
	[tilespmem:s2+$0x14800] =	vst v2;
	(pc) =	sbr.rel @p0 .LBB2_10-.Ltmp3, $4  }
0x1cc: {  	s28 =	sshll.u32 s9, $0xB;
	s4 =	sor.u32 $0x380, s4;
	[tilespmem:s1+$0x14800] =	vst v1  }
0x1cd: {  	s30 =	rddreg [dreg:$0x2];
	s29 =	sand.u32 $0x1FFFF800, s28;
	s26 =	sor.u32 $0x380, s7;
	[tilespmem:s4+$0x14800] =	vst v4  }
0x1ce: {  	s31 =	simm.s32 $0x14800;
	s1 =	sadd.s32 s30, s29;
	[tilespmem:s26+$0x14800] =	vst v5  }
0x1cf: {  	[hbm4b:s1+s5] =	stream.linear.scatter [tilespmem:s31], [sflag:$0x6], $0x4000, $0x38;
	[tilespmem:$0x18800] =	vst v63  }
0x1d0: {  	s1 =	rddreg [dreg:$0xc]  }
.Ltmp4:
0x1d1: {  	s1 =	sadd.s32 s3, s1;
	(pc) =	sbr.rel .LBB2_2-.Ltmp4, $4  }
0x1d2: {  	s1 =	sshll.u32 s1, $0xB  }
0x1d3: {  	s2 =	rddreg [dreg:$0x0];
	s1 =	sand.u32 $0x1FFFF800, s1  }
0x1d4: {  	s0 =	sadd.s32 $0x1, s0;
	s1 =	sadd.s32 s2, s1  }
0x1d5: {  	[tilespmem:s21], [sflag:$0x3] =	stream.linear.gather [hbm4b:s1+s5], $0x4000, $0x38;
	[tilespmem:$0x18800] =	vst v63  }
.LBB2_10:
0x1d6: {  	s0 =	simm.s32 $0x1  }
0x1d7: {  	_ =	swait.ge [sflag:s0], $0x4000  }
0x1d8: {  	[sflag:s0] =	ssyncset.done $0x0  }
0x1d9: {  	s16 =	simm.s32 $0x0;
	s29 =	simm.s32 $0x4;
	[sflag:s0] =	ssyncadd.s32 $0xFFFFC000  }
0x1da: {  	s1 =	sand.u32 $0x40, s16;
	_ =	swait.ge [sflag:s29], $0x4000  }
0x1db: {  	s2 =	sand.u32 $0x780, s16;
	s3 =	sor.u32 $0x30, s1;
	[sflag:s29] =	ssyncset.done $0x0  }
0x1dc: {  	s4 =	sor.u32 s3, s2;
	[sflag:s29] =	ssyncadd.s32 $0xFFFFC000  }
0x1dd: {  	v0 =	vld [tilespmem:s4+$0x0]  }
0x1de: {  	s6 =	sor.u32 $0x10, s1;
	v1 =	vld [tilespmem:s16+$0x0]  }
0x1df: {  	s7 =	sor.u32 $0x20, s1;
	s17 =	sor.u32 s6, s2  }
0x1e0: {  	s2 =	sor.u32 s7, s2;
	v2 =	vld [tilespmem:s17+$0x0]  }
0x1e1: {  	v3 =	vld [tilespmem:s2+$0x0]  }
0x1e2: {  	v4 =	vshll.u32 v0, $0x3  }
0x1e3: {  	v5 =	vshll.u32 v1, $0x3;
	v0 =	vand.u32 $0x7F, v0;
	v4 =	vand.u32 $0xFFFFFC00, v4  }
0x1e4: {  	v1 =	vand.u32 $0x7F, v1;
	v6 =	vand.u32 $0xFFFFFC00, v5;
	v5 =	vor.u32 v0, v4  }
0x1e5: {  	v0 =	vor.u32 v1, v6;
	v1 =	vshll.u32 v2, $0x3  }
0x1e6: {  	v4 =	vshll.u32 v3, $0x3;
	v2 =	vand.u32 $0x7F, v2;
	v1 =	vand.u32 $0xFFFFFC00, v1  }
0x1e7: {  	v6 =	vand.u32 $0xFFFFFC00, v4;
	v4 =	vor.u32 v2, v1;
	v1 =	vand.u32 $0x7F, v3  }
0x1e8: {  	v3 =	vor.u32 v1, v6  }
0x1e9: {  	v1 =	vld.idx.msk [tilespmem:v5+s19+$0x0], $0xffff  }
0x1ea: {  	v6 =	vor.u32 $0x80, v5;
	v2 =	vld.idx.msk [tilespmem:v0+s19+$0x0], $0xffff  }
0x1eb: {  	s0 =	sand.u32 $0x3C00, s16;
	v7 =	vor.u32 $0x80, v0  }
0x1ec: {  	s0 =	sadd.s32 $0xC800, s0;
	v8 =	vld.idx.msk [tilespmem:v4+s19+$0x0], $0xffff  }
0x1ed: {  	s8 =	sor.u32 s3, s0;
	v9 =	vor.u32 $0x80, v4;
	v10 =	vld.idx.msk [tilespmem:v3+s19+$0x0], $0xffff  }
0x1ee: {  	s18 =	sor.u32 s1, s0;
	v11 =	vor.u32 $0x80, v3;
	[tilespmem:s8+$0x0] =	vst v1  }
0x1ef: {  	[tilespmem:s18+$0x0] =	vst v2;
	v1 =	vld.idx.msk [tilespmem:v6+s19+$0x0], $0xffff  }
0x1f0: {  	s10 =	sor.u32 s6, s0;
	v2 =	vld.idx.msk [tilespmem:v7+s19+$0x0], $0xffff;
	v6 =	vor.u32 $0x100, v5  }
0x1f1: {  	s22 =	sor.u32 s7, s0;
	v7 =	vor.u32 $0x100, v0;
	[tilespmem:s10+$0x0] =	vst v8  }
0x1f2: {  	v8 =	vld.idx.msk [tilespmem:v9+s19+$0x0], $0xffff;
	[tilespmem:s22+$0x0] =	vst v10  }
0x1f3: {  	v9 =	vor.u32 $0x100, v4;
	v10 =	vld.idx.msk [tilespmem:v11+s19+$0x0], $0xffff  }
0x1f4: {  	v11 =	vor.u32 $0x100, v3;
	[tilespmem:s8+$0x80] =	vst v1  }
0x1f5: {  	[tilespmem:s18+$0x80] =	vst v2;
	v1 =	vld.idx.msk [tilespmem:v6+s19+$0x0], $0xffff  }
0x1f6: {  	v2 =	vld.idx.msk [tilespmem:v7+s19+$0x0], $0xffff;
	v6 =	vor.u32 $0x180, v5  }
0x1f7: {  	v7 =	vor.u32 $0x180, v0;
	[tilespmem:s10+$0x80] =	vst v8  }
0x1f8: {  	v8 =	vld.idx.msk [tilespmem:v9+s19+$0x0], $0xffff;
	[tilespmem:s22+$0x80] =	vst v10  }
0x1f9: {  	s0 =	simm.s32 $0x40;
	v9 =	vor.u32 $0x180, v4;
	v10 =	vld.idx.msk [tilespmem:v11+s19+$0x0], $0xffff  }
0x1fa: {  	s23 =	sand.u32 $0x40, s0;
	v11 =	vld [tilespmem:s0+$0x0];
	[tilespmem:s8+$0x100] =	vst v1  }
0x1fb: {  	s25 =	sand.u32 $0x780, s0;
	s26 =	sor.u32 $0x30, s23;
	[tilespmem:s18+$0x100] =	vst v2;
	v1 =	vld.idx.msk [tilespmem:v6+s19+$0x0], $0xffff  }
0x1fc: {  	s9 =	sor.u32 s26, s25;
	v2 =	vor.u32 $0x180, v3;
	v6 =	vld.idx.msk [tilespmem:v7+s19+$0x0], $0xffff  }
0x1fd: {  	s30 =	sor.u32 $0x10, s23;
	v7 =	vor.u32 $0x200, v5;
	[tilespmem:s10+$0x100] =	vst v8;
	v8 =	vld [tilespmem:s9+$0x0]  }
0x1fe: {  	s31 =	sor.u32 $0x20, s23;
	s11 =	sor.u32 s30, s25;
	v9 =	vld.idx.msk [tilespmem:v9+s19+$0x0], $0xffff  }
0x1ff: {  	s7 =	sor.u32 s31, s25;
	v13 =	vld [tilespmem:s11+$0x0];
	v12 =	vor.u32 $0x200, v4;
	v14 =	vshll.u32 v11, $0x3  }
0x200: {  	v15 =	vld [tilespmem:s7+$0x0];
	[tilespmem:s22+$0x100] =	vst v10;
	v10 =	vor.u32 $0x200, v0;
	v11 =	vand.u32 $0x7F, v11;
	v14 =	vand.u32 $0xFFFFFC00, v14  }
0x201: {  	p0 =	por $0x0, $0x0;
	s7 =	simm.s32 $0x1;
	v16 =	vld.idx.msk [tilespmem:v2+s19+$0x0], $0xffff;
	[tilespmem:s8+$0x180] =	vst v1;
	v1 =	vor.u32 v11, v14  }
0x202: {  	s7 =	simm.s32 @!p0 $0x0;
	v11 =	vor.u32 $0x200, v3;
	v7 =	vld.idx.msk [tilespmem:v7+s19+$0x0], $0xffff;
	v2 =	vshll.u32 v8, $0x3  }
0x203: {  	s7 =	sshll.u32 s7, $0x6;
	v8 =	vand.u32 $0x7F, v8;
	[tilespmem:s10+$0x180] =	vst v9;
	v2 =	vand.u32 $0xFFFFFC00, v2;
	v9 =	vor.u32 $0x280, v5  }
0x204: {  	v14 =	vor.u32 $0x280, v4;
	[tilespmem:s18+$0x180] =	vst v6;
	s8 =	sadd.s32 $0x0, s7;
	v6 =	vld.idx.msk [tilespmem:v12+s19+$0x0], $0xffff;
	v12 =	vshll.u32 v13, $0x3;
	v2 =	vor.u32 v8, v2  }
0x205: {  	s7 =	sadd.s32 $0x30, s8;
	v8 =	vld.idx.msk [tilespmem:v10+s19+$0x0], $0xffff;
	v10 =	vshll.u32 v15, $0x3;
	v13 =	vand.u32 $0x7F, v13;
	v12 =	vand.u32 $0xFFFFFC00, v12  }
0x206: {  	s10 =	sor.u32 $0x200, s7;
	v10 =	vand.u32 $0xFFFFFC00, v10;
	[tilespmem:s22+$0x180] =	vst v16;
	v17 =	vld.idx.msk [tilespmem:v1+s19+$0x0], $0xffff;
	v21 =	vor.u32 v13, v12;
	v12 =	vand.u32 $0x7F, v15  }
0x207: {  	s11 =	sadd.s32 $0x10, s8;
	v11 =	vld.idx.msk [tilespmem:v11+s19+$0x0], $0xffff;
	v10 =	vor.u32 v12, v10;
	[tilespmem:s10+$0xC800] =	vst v7  }
0x208: {  	s13 =	sor.u32 $0x200, s11;
	v7 =	vor.u32 $0x280, v0;
	v9 =	vld.idx.msk [tilespmem:v9+s19+$0x0], $0xffff  }
0x209: {  	s3 =	simm.s32 $0x200;
	s15 =	sor.u32 $0x200, s8;
	v12 =	vor.u32 $0x280, v3;
	v13 =	vld.idx.msk [tilespmem:v2+s19+$0x0], $0xffff;
	[tilespmem:s13+$0xC800] =	vst v6  }
0x20a: {  	s16 =	sand.u32 $0x3C00, s3;
	s14 =	sadd.s32 $0x20, s8;
	[tilespmem:s15+$0xC800] =	vst v8;
	v8 =	vor.u32 $0x80, v1;
	v6 =	vld.idx.msk [tilespmem:v14+s19+$0x0], $0xffff  }
0x20b: {  	s4 =	sadd.s32 $0xC800, s16;
	s12 =	sor.u32 $0x200, s14;
	v14 =	vor.u32 $0x300, v5;
	v15 =	vld.idx.msk [tilespmem:v21+s19+$0x0], $0xffff  }
0x20c: {  	s2 =	sor.u32 s23, s4;
	v16 =	vor.u32 $0x80, v2;
	[tilespmem:s12+$0xC800] =	vst v11;
	v18 =	vld.idx.msk [tilespmem:v10+s19+$0x0], $0xffff  }
0x20d: {  	s17 =	sor.u32 $0x280, s7;
	v19 =	vor.u32 $0x80, v21;
	[tilespmem:s2+$0x0] =	vst v17;
	v22 =	vld.idx.msk [tilespmem:v7+s19+$0x0], $0xffff  }
0x20e: {  	s25 =	sor.u32 s26, s4;
	v7 =	vor.u32 $0x80, v10;
	v11 =	vld.idx.msk [tilespmem:v12+s19+$0x0], $0xffff;
	[tilespmem:s17+$0xC800] =	vst v9  }
0x20f: {  	s18 =	sor.u32 $0x280, s11;
	v9 =	vor.u32 $0x300, v4;
	[tilespmem:s25+$0x0] =	vst v13;
	v8 =	vld.idx.msk [tilespmem:v8+s19+$0x0], $0xffff  }
0x210: {  	s28 =	sor.u32 s30, s4;
	v13 =	vor.u32 $0x300, v3;
	v12 =	vld.idx.msk [tilespmem:v14+s19+$0x0], $0xffff;
	[tilespmem:s18+$0xC800] =	vst v6  }
0x211: {  	s15 =	sor.u32 s31, s4;
	v5 =	vor.u32 $0x380, v5;
	v16 =	vld.idx.msk [tilespmem:v16+s19+$0x0], $0xffff;
	[tilespmem:s28+$0x0] =	vst v15  }
0x212: {  	s22 =	sor.u32 $0x280, s14;
	v17 =	vor.u32 $0x100, v2;
	v15 =	vld.idx.msk [tilespmem:v19+s19+$0x0], $0xffff;
	[tilespmem:s15+$0x0] =	vst v18  }
0x213: {  	s26 =	sor.u32 $0x280, s8;
	v18 =	vor.u32 $0x100, v1;
	[tilespmem:s22+$0xC800] =	vst v11;
	v7 =	vld.idx.msk [tilespmem:v7+s19+$0x0], $0xffff  }
0x214: {  	s23 =	sor.u32 $0x300, s7;
	v6 =	vor.u32 $0x100, v21;
	[tilespmem:s26+$0xC800] =	vst v22;
	v23 =	vld.idx.msk [tilespmem:v9+s19+$0x0], $0xffff  }
0x215: {  	v20 =	vor.u32 $0x100, v10;
	v14 =	vld.idx.msk [tilespmem:v13+s19+$0x0], $0xffff;
	[tilespmem:s23+$0xC800] =	vst v12  }
0x216: {  	[tilespmem:s25+$0x80] =	vst v16;
	v16 =	vor.u32 $0x300, v0;
	v24 =	vld.idx.msk [tilespmem:v5+s19+$0x0], $0xffff  }
0x217: {  	v25 =	vor.u32 $0x380, v4;
	[tilespmem:s2+$0x80] =	vst v8;
	v19 =	vld.idx.msk [tilespmem:v17+s19+$0x0], $0xffff  }
0x218: {  	v4 =	vor.u32 $0x380, v21;
	v17 =	vld.idx.msk [tilespmem:v18+s19+$0x0], $0xffff;
	[tilespmem:s28+$0x80] =	vst v15  }
0x219: {  	v11 =	vor.u32 $0x200, v21;
	v22 =	vor.u32 $0x180, v2;
	v13 =	vor.u32 $0x180, v21;
	v18 =	vld.idx.msk [tilespmem:v6+s19+$0x0], $0xffff;
	[tilespmem:s15+$0x80] =	vst v7  }
0x21a: {  	s6 =	simm.s32 $0x4;
	s16 =	simm.s32 $0x80;
	s30 =	sor.u32 $0x300, s11;
	v8 =	vor.u32 $0x280, v21;
	v6 =	vor.u32 $0x300, v21;
	v21 =	vor.u32 $0x180, v1;
	v20 =	vld.idx.msk [tilespmem:v20+s19+$0x0], $0xffff  }
0x21b: {  	s9 =	sor.u32 $0x380, s14;
	s31 =	sor.u32 $0x380, s7;
	s17 =	sor.u32 $0x380, s11;
	v3 =	vor.u32 $0x380, v3;
	v9 =	vor.u32 $0x200, v10;
	v12 =	vor.u32 $0x180, v10;
	[tilespmem:s30+$0xC800] =	vst v23;
	v15 =	vld.idx.msk [tilespmem:v16+s19+$0x0], $0xffff  }
0x21c: {  	s18 =	sor.u32 $0x300, s8;
	s8 =	sor.u32 $0x380, s8;
	s23 =	sor.u32 $0x300, s14;
	v5 =	vor.u32 $0x300, v10;
	v7 =	vor.u32 $0x280, v10;
	v10 =	vor.u32 $0x380, v10;
	v16 =	vld.idx.msk [tilespmem:v25+s19+$0x0], $0xffff;
	[tilespmem:s31+$0xC800] =	vst v24  }
.LBB2_11:
0x21d: {  	v23 =	vld [tilespmem:s16+$0x0];
	[tilespmem:s25+$0x100] =	vst v19;
	s0 =	sadd.s32 $0x40, s0  }
0x21e: {  	s6 =	sadd.s32 $0x4, s6;
	s14 =	sand.u32 $0x40, s0;
	[tilespmem:s2+$0x100] =	vst v17;
	v17 =	vld.idx.msk [tilespmem:v22+s19+$0x0], $0xffff  }
0x21f: {  	s1 =	sand.u32 $0x780, s0;
	p1 =	slt.u32 s6, $0x7C;
	s10 =	sor.u32 $0x30, s14;
	v19 =	vld.idx.msk [tilespmem:v21+s19+$0x0], $0xffff;
	[tilespmem:s28+$0x100] =	vst v18  }
0x220: {  	s12 =	sor.u32 $0x10, s14;
	s11 =	sor.u32 $0x20, s14;
	v18 =	vor.u32 $0x200, v2;
	s4 =	sor.u32 s10, s1;
	v13 =	vld.idx.msk [tilespmem:v13+s19+$0x0], $0xffff;
	[tilespmem:s15+$0x100] =	vst v20  }
0x221: {  	v21 =	vor.u32 $0x200, v1;
	s7 =	sor.u32 s12, s1;
	s1 =	sor.u32 s11, s1;
	v20 =	vld [tilespmem:s4+$0x0];
	[tilespmem:s23+$0xC800] =	vst v14  }
0x222: {  	v14 =	vld [tilespmem:s7+$0x0];
	[tilespmem:s18+$0xC800] =	vst v15  }
0x223: {  	v15 =	vshll.u32 v23, $0x3;
	v22 =	vld [tilespmem:s1+$0x0];
	[tilespmem:s17+$0xC800] =	vst v16  }
0x224: {  	v16 =	vand.u32 $0x7F, v23;
	v15 =	vand.u32 $0xFFFFFC00, v15;
	v12 =	vld.idx.msk [tilespmem:v12+s19+$0x0], $0xffff;
	[tilespmem:s25+$0x180] =	vst v17;
	v17 =	vor.u32 $0x380, v0;
	v0 =	vmovc v1  }
0x225: {  	p0 =	por !p0, !p0;
	s1 =	simm.s32 $0x1;
	v1 =	vor.u32 v16, v15;
	[tilespmem:s2+$0x180] =	vst v19;
	v15 =	vld.idx.msk [tilespmem:v18+s19+$0x0], $0xffff  }
0x226: {  	s1 =	simm.s32 @!p0 $0x0;
	v16 =	vshll.u32 v20, $0x3;
	v18 =	vld.idx.msk [tilespmem:v21+s19+$0x0], $0xffff;
	[tilespmem:s28+$0x180] =	vst v13  }
0x227: {  	s1 =	sshll.u32 s1, $0x6;
	v13 =	vand.u32 $0x7F, v20;
	v16 =	vand.u32 $0xFFFFFC00, v16;
	v19 =	vld.idx.msk [tilespmem:v11+s19+$0x0], $0xffff;
	v11 =	vor.u32 $0x280, v2  }
0x228: {  	s2 =	sadd.s32 s1, s3;
	v20 =	vshll.u32 v14, $0x3;
	v21 =	vshll.u32 v22, $0x3;
	v16 =	vor.u32 v13, v16;
	v23 =	vld.idx.msk [tilespmem:v3+s19+$0x0], $0xffff;
	v3 =	vmovc v10  }
0x229: {  	s17 =	sadd.s32 $0x10, s2;
	s22 =	sadd.s32 $0x20, s2;
	s13 =	sadd.s32 $0x30, s2;
	v10 =	vand.u32 $0x7F, v14;
	v13 =	vand.u32 $0xFFFFFC00, v20;
	v14 =	vand.u32 $0xFFFFFC00, v21;
	v17 =	vld.idx.msk [tilespmem:v17+s19+$0x0], $0xffff  }
0x22a: {  	s25 =	sor.u32 $0x200, s17;
	s1 =	sor.u32 $0x200, s13;
	v10 =	vor.u32 v10, v13;
	v13 =	vand.u32 $0x7F, v22;
	v21 =	vor.u32 $0x280, v0;
	v20 =	vld.idx.msk [tilespmem:v1+s19+$0x0], $0xffff;
	[tilespmem:s15+$0x180] =	vst v12;
	s15 =	sor.u32 $0x200, s22  }
0x22b: {  	s7 =	sor.u32 $0x200, s2;
	s26 =	sor.u32 $0x280, s17;
	s4 =	sor.u32 $0x280, s22;
	v22 =	vor.u32 $0x80, v10;
	v24 =	vor.u32 $0x100, v10;
	v14 =	vor.u32 v13, v14;
	v25 =	vld.idx.msk [tilespmem:v9+s19+$0x0], $0xffff;
	[tilespmem:s1+$0xC800] =	vst v15  }
0x22c: {  	s23 =	sor.u32 $0x300, s22;
	v13 =	vor.u32 $0x180, v10;
	v15 =	vor.u32 $0x80, v14;
	v26 =	vor.u32 $0x100, v14;
	s1 =	sor.u32 $0x280, s2;
	[tilespmem:s7+$0xC800] =	vst v18;
	s7 =	sor.u32 $0x300, s17;
	v18 =	vld.idx.msk [tilespmem:v11+s19+$0x0], $0xffff  }
0x22d: {  	s18 =	sor.u32 $0x300, s2;
	s22 =	sor.u32 $0x380, s22;
	v12 =	vor.u32 $0x180, v14;
	v9 =	vor.u32 $0x200, v14;
	v11 =	vor.u32 $0x200, v10;
	s17 =	sor.u32 $0x380, s17;
	v27 =	vld.idx.msk [tilespmem:v16+s19+$0x0], $0xffff;
	[tilespmem:s25+$0xC800] =	vst v19  }
0x22e: {  	v29 =	vor.u32 $0x300, v2;
	s2 =	sor.u32 $0x380, s2;
	v19 =	vor.u32 $0x280, v14;
	v28 =	vld.idx.msk [tilespmem:v8+s19+$0x0], $0xffff;
	v8 =	vor.u32 $0x280, v10;
	[tilespmem:s9+$0xC800] =	vst v23;
	s9 =	smov.u32 s22  }
0x22f: {  	s3 =	sadd.s32 $0x200, s3;
	v32 =	vor.u32 $0x80, v16;
	v30 =	vor.u32 $0x300, v10;
	v31 =	vor.u32 $0x300, v14;
	v23 =	vld.idx.msk [tilespmem:v10+s19+$0x0], $0xffff;
	[tilespmem:s8+$0xC800] =	vst v17;
	s8 =	smov.u32 s2  }
0x230: {  	v33 =	vor.u32 $0x380, v10;
	s2 =	sand.u32 $0x3C00, s3;
	v17 =	vor.u32 $0x80, v1;
	v10 =	vor.u32 $0x380, v14;
	v34 =	vld.idx.msk [tilespmem:v14+s19+$0x0], $0xffff  }
0x231: {  	s22 =	sadd.s32 $0xC800, s2;
	v35 =	vld.idx.msk [tilespmem:v21+s19+$0x0], $0xffff;
	[tilespmem:s15+$0xC800] =	vst v25;
	s15 =	sor.u32 $0x280, s13  }
0x232: {  	s2 =	sor.u32 s14, s22;
	s28 =	sor.u32 s12, s22;
	s25 =	sor.u32 s10, s22;
	v14 =	vld.idx.msk [tilespmem:v7+s19+$0x0], $0xffff;
	[tilespmem:s15+$0xC800] =	vst v18;
	v7 =	vmov v19  }
0x233: {  	s15 =	sor.u32 s11, s22;
	[tilespmem:s25+$0x0] =	vst v27;
	v18 =	vld.idx.msk [tilespmem:v29+s19+$0x0], $0xffff  }
0x234: {  	[tilespmem:s2+$0x0] =	vst v20;
	v19 =	vld.idx.msk [tilespmem:v32+s19+$0x0], $0xffff  }
0x235: {  	v20 =	vor.u32 $0x380, v2;
	v2 =	vmov v16;
	v17 =	vld.idx.msk [tilespmem:v17+s19+$0x0], $0xffff;
	[tilespmem:s28+$0x0] =	vst v23  }
0x236: {  	v21 =	vor.u32 $0x100, v2;
	v16 =	vld.idx.msk [tilespmem:v22+s19+$0x0], $0xffff;
	[tilespmem:s15+$0x0] =	vst v34  }
0x237: {  	v22 =	vor.u32 $0x100, v1;
	v15 =	vld.idx.msk [tilespmem:v15+s19+$0x0], $0xffff;
	[tilespmem:s26+$0xC800] =	vst v28  }
0x238: {  	v23 =	vld.idx.msk [tilespmem:v6+s19+$0x0], $0xffff;
	[tilespmem:s4+$0xC800] =	vst v14;
	s4 =	sor.u32 $0x300, s13;
	v6 =	vmov v30  }
0x239: {  	v14 =	vld.idx.msk [tilespmem:v5+s19+$0x0], $0xffff;
	[tilespmem:s4+$0xC800] =	vst v18;
	v5 =	vmov v31  }
0x23a: {  	v25 =	vor.u32 $0x300, v0;
	[tilespmem:s25+$0x80] =	vst v19;
	v27 =	vld.idx.msk [tilespmem:v20+s19+$0x0], $0xffff  }
0x23b: {  	[tilespmem:s2+$0x80] =	vst v17;
	v19 =	vld.idx.msk [tilespmem:v21+s19+$0x0], $0xffff  }
.Ltmp5:
0x23c: {  	v17 =	vld.idx.msk [tilespmem:v22+s19+$0x0], $0xffff;
	[tilespmem:s28+$0x80] =	vst v16;
	(pc) =	sbr.rel @p1 .LBB2_11-.Ltmp5, $4  }
0x23d: {  	v22 =	vor.u32 $0x180, v2;
	v18 =	vld.idx.msk [tilespmem:v24+s19+$0x0], $0xffff;
	[tilespmem:s15+$0x80] =	vst v15  }
0x23e: {  	v21 =	vor.u32 $0x180, v1;
	v20 =	vld.idx.msk [tilespmem:v26+s19+$0x0], $0xffff;
	[tilespmem:s1+$0xC800] =	vst v35  }
0x23f: {  	s1 =	sor.u32 $0x380, s13;
	v15 =	vld.idx.msk [tilespmem:v25+s19+$0x0], $0xffff;
	[tilespmem:s7+$0xC800] =	vst v23  }
0x240: {  	s16 =	sadd.s32 $0x40, s16;
	v16 =	vld.idx.msk [tilespmem:v4+s19+$0x0], $0xffff;
	[tilespmem:s1+$0xC800] =	vst v27;
	v4 =	vmov v33  }
0x241: {  	_ =	sdelay $0x2  }
0x242: {  	[tilespmem:s25+$0x100] =	vst v19  }
0x243: {  	v19 =	vld.idx.msk [tilespmem:v22+s19+$0x0], $0xffff;
	[tilespmem:s28+$0x100] =	vst v18  }
0x244: {  	[tilespmem:s2+$0x100] =	vst v17;
	v18 =	vor.u32 $0x200, v2;
	v13 =	vld.idx.msk [tilespmem:v13+s19+$0x0], $0xffff  }
0x245: {  	v17 =	vld.idx.msk [tilespmem:v21+s19+$0x0], $0xffff;
	[tilespmem:s15+$0x100] =	vst v20  }
0x246: {  	v20 =	vor.u32 $0x200, v1;
	v12 =	vld.idx.msk [tilespmem:v12+s19+$0x0], $0xffff;
	_ =	sdelay $0x1  }
0x247: {  	p0 =	por !p0, !p0;
	s0 =	simm.s32 $0x1;
	[tilespmem:s25+$0x180] =	vst v19  }
0x248: {  	s0 =	simm.s32 @!p0 $0x0;
	v18 =	vld.idx.msk [tilespmem:v18+s19+$0x0], $0xffff;
	[tilespmem:s28+$0x180] =	vst v13  }
0x249: {  	s0 =	sshll.u32 s0, $0x6;
	[tilespmem:s2+$0x180] =	vst v17;
	v13 =	vor.u32 $0x280, v2;
	v11 =	vld.idx.msk [tilespmem:v11+s19+$0x0], $0xffff  }
0x24a: {  	s0 =	sadd.s32 s0, s3;
	[tilespmem:s15+$0x180] =	vst v12;
	v12 =	vld.idx.msk [tilespmem:v20+s19+$0x0], $0xffff  }
0x24b: {  	s1 =	sadd.s32 $0x30, s0;
	v17 =	vor.u32 $0x280, v1;
	v9 =	vld.idx.msk [tilespmem:v9+s19+$0x0], $0xffff  }
0x24c: {  	s14 =	sadd.s32 $0x10, s0;
	s15 =	sor.u32 $0x200, s1  }
0x24d: {  	s6 =	sor.u32 $0x200, s14;
	[tilespmem:s15+$0xC800] =	vst v18  }
0x24e: {  	s4 =	sadd.s32 $0x20, s0;
	s22 =	sor.u32 $0x200, s0;
	v13 =	vld.idx.msk [tilespmem:v13+s19+$0x0], $0xffff;
	[tilespmem:s6+$0xC800] =	vst v11  }
0x24f: {  	s16 =	sor.u32 $0x200, s4;
	v11 =	vor.u32 $0x300, v2;
	[tilespmem:s22+$0xC800] =	vst v12;
	v8 =	vld.idx.msk [tilespmem:v8+s19+$0x0], $0xffff  }
0x250: {  	[tilespmem:s16+$0xC800] =	vst v9;
	v9 =	vld.idx.msk [tilespmem:v17+s19+$0x0], $0xffff  }
0x251: {  	v12 =	vor.u32 $0x300, v1;
	v7 =	vld.idx.msk [tilespmem:v7+s19+$0x0], $0xffff  }
0x252: {  	[tilespmem:s23+$0xC800] =	vst v14;
	s25 =	sor.u32 $0x280, s1  }
0x253: {  	s26 =	sor.u32 $0x280, s14;
	[tilespmem:s25+$0xC800] =	vst v13  }
0x254: {  	v0 =	vor.u32 $0x380, v0;
	s7 =	sor.u32 $0x280, s0;
	v11 =	vld.idx.msk [tilespmem:v11+s19+$0x0], $0xffff;
	[tilespmem:s26+$0xC800] =	vst v8  }
0x255: {  	s31 =	sor.u32 $0x280, s4;
	v2 =	vor.u32 $0x380, v2;
	[tilespmem:s7+$0xC800] =	vst v9;
	v6 =	vld.idx.msk [tilespmem:v6+s19+$0x0], $0xffff  }
0x256: {  	[tilespmem:s31+$0xC800] =	vst v7;
	v7 =	vld.idx.msk [tilespmem:v12+s19+$0x0], $0xffff  }
0x257: {  	[tilespmem:s18+$0xC800] =	vst v15;
	v1 =	vor.u32 $0x380, v1;
	v5 =	vld.idx.msk [tilespmem:v5+s19+$0x0], $0xffff  }
0x258: {  	v3 =	vld.idx.msk [tilespmem:v3+s19+$0x0], $0xffff;
	[tilespmem:s17+$0xC800] =	vst v16;
	s10 =	sor.u32 $0x300, s1  }
0x259: {  	v0 =	vld.idx.msk [tilespmem:v0+s19+$0x0], $0xffff;
	s11 =	sor.u32 $0x300, s14;
	[tilespmem:s10+$0xC800] =	vst v11  }
0x25a: {  	s13 =	sor.u32 $0x300, s0;
	v2 =	vld.idx.msk [tilespmem:v2+s19+$0x0], $0xffff;
	[tilespmem:s11+$0xC800] =	vst v6  }
0x25b: {  	s12 =	sor.u32 $0x300, s4;
	[tilespmem:s13+$0xC800] =	vst v7;
	v4 =	vld.idx.msk [tilespmem:v4+s19+$0x0], $0xffff  }
0x25c: {  	[tilespmem:s12+$0xC800] =	vst v5;
	v1 =	vld.idx.msk [tilespmem:v1+s19+$0x0], $0xffff  }
0x25d: {  	[tilespmem:s9+$0xC800] =	vst v3;
	v5 =	vld.idx.msk [tilespmem:v10+s19+$0x0], $0xffff  }
0x25e: {  	s1 =	sor.u32 $0x380, s1;
	[tilespmem:s8+$0xC800] =	vst v0  }
0x25f: {  	s2 =	sor.u32 $0x380, s14;
	[tilespmem:s1+$0xC800] =	vst v2  }
0x260: {  	s0 =	sor.u32 $0x380, s0;
	[tilespmem:s2+$0xC800] =	vst v4  }
0x261: {  	s14 =	sor.u32 $0x380, s4;
	[tilespmem:s0+$0xC800] =	vst v1  }
0x262: {  	[tilespmem:s14+$0xC800] =	vst v5  }
0x263: {  	s15 =	simm.s32 $0x0;
	s16 =	simm.s32 $0xC800;
	s1 =	rddreg [dreg:$0xd]  }
0x264: {  	[hbm4b:s1+s15] =	stream.linear.scatter [tilespmem:s16], [sflag:$0x4], $0x4000, $0x38;
	[tilespmem:$0x18800] =	vst v63  }
0x265: {  	_ =	swait.ge [sflag:s24], $0x4000  }
0x266: {  	[sflag:s24] =	ssyncset.done $0x0  }
0x267: {  	s30 =	simm.s32 $0x5;
	[sflag:s24] =	ssyncadd.s32 $0xFFFFC000  }
0x268: {  	s17 =	sand.u32 $0x40, s15;
	_ =	swait.ge [sflag:s30], $0x4000  }
0x269: {  	s18 =	sand.u32 $0x780, s15;
	s22 =	sor.u32 $0x30, s17;
	[sflag:s30] =	ssyncset.done $0x0  }
0x26a: {  	s23 =	sor.u32 s22, s18;
	[sflag:s30] =	ssyncadd.s32 $0xFFFFC000  }
0x26b: {  	v0 =	vld [tilespmem:s23+$0x0]  }
0x26c: {  	s25 =	sor.u32 $0x10, s17;
	v1 =	vld [tilespmem:s15+$0x0]  }
0x26d: {  	s7 =	sor.u32 $0x20, s17;
	s26 =	sor.u32 s25, s18  }
0x26e: {  	s2 =	sor.u32 s7, s18;
	v2 =	vld [tilespmem:s26+$0x0]  }
0x26f: {  	v3 =	vld [tilespmem:s2+$0x0]  }
0x270: {  	v4 =	vshll.u32 v0, $0x3  }
0x271: {  	v5 =	vshll.u32 v1, $0x3;
	v0 =	vand.u32 $0x7F, v0;
	v4 =	vand.u32 $0xFFFFFC00, v4  }
0x272: {  	v1 =	vand.u32 $0x7F, v1;
	v6 =	vand.u32 $0xFFFFFC00, v5;
	v5 =	vor.u32 v0, v4  }
0x273: {  	v0 =	vor.u32 v1, v6;
	v1 =	vshll.u32 v2, $0x3  }
0x274: {  	v4 =	vshll.u32 v3, $0x3;
	v2 =	vand.u32 $0x7F, v2;
	v1 =	vand.u32 $0xFFFFFC00, v1  }
0x275: {  	v6 =	vand.u32 $0xFFFFFC00, v4;
	v4 =	vor.u32 v2, v1;
	v1 =	vand.u32 $0x7F, v3  }
0x276: {  	v3 =	vor.u32 v1, v6  }
0x277: {  	v1 =	vld.idx.msk [tilespmem:v5+s20+$0x0], $0xffff  }
0x278: {  	v6 =	vor.u32 $0x80, v5;
	v2 =	vld.idx.msk [tilespmem:v0+s20+$0x0], $0xffff  }
0x279: {  	s0 =	sand.u32 $0x3C00, s15;
	v7 =	vor.u32 $0x80, v0  }
0x27a: {  	s0 =	sadd.s32 $0x10800, s0;
	v8 =	vld.idx.msk [tilespmem:v4+s20+$0x0], $0xffff  }
0x27b: {  	s31 =	sor.u32 s22, s0;
	v9 =	vor.u32 $0x80, v4;
	v10 =	vld.idx.msk [tilespmem:v3+s20+$0x0], $0xffff  }
0x27c: {  	s1 =	sor.u32 s17, s0;
	v11 =	vor.u32 $0x80, v3;
	[tilespmem:s31+$0x0] =	vst v1  }
0x27d: {  	[tilespmem:s1+$0x0] =	vst v2;
	v1 =	vld.idx.msk [tilespmem:v6+s20+$0x0], $0xffff  }
0x27e: {  	s10 =	sor.u32 s25, s0;
	v2 =	vld.idx.msk [tilespmem:v7+s20+$0x0], $0xffff;
	v6 =	vor.u32 $0x100, v5  }
0x27f: {  	s2 =	sor.u32 s7, s0;
	v7 =	vor.u32 $0x100, v0;
	[tilespmem:s10+$0x0] =	vst v8  }
0x280: {  	v8 =	vld.idx.msk [tilespmem:v9+s20+$0x0], $0xffff;
	[tilespmem:s2+$0x0] =	vst v10  }
0x281: {  	v9 =	vor.u32 $0x100, v4;
	v10 =	vld.idx.msk [tilespmem:v11+s20+$0x0], $0xffff  }
0x282: {  	v11 =	vor.u32 $0x100, v3;
	[tilespmem:s31+$0x80] =	vst v1  }
0x283: {  	[tilespmem:s1+$0x80] =	vst v2;
	v1 =	vld.idx.msk [tilespmem:v6+s20+$0x0], $0xffff  }
0x284: {  	v2 =	vld.idx.msk [tilespmem:v7+s20+$0x0], $0xffff;
	v6 =	vor.u32 $0x180, v5  }
0x285: {  	v7 =	vor.u32 $0x180, v0;
	[tilespmem:s10+$0x80] =	vst v8  }
0x286: {  	v8 =	vld.idx.msk [tilespmem:v9+s20+$0x0], $0xffff;
	[tilespmem:s2+$0x80] =	vst v10  }
0x287: {  	s0 =	simm.s32 $0x40;
	v9 =	vor.u32 $0x180, v4;
	v10 =	vld.idx.msk [tilespmem:v11+s20+$0x0], $0xffff  }
0x288: {  	s6 =	sand.u32 $0x40, s0;
	v11 =	vld [tilespmem:s0+$0x0];
	[tilespmem:s31+$0x100] =	vst v1  }
0x289: {  	s16 =	sand.u32 $0x780, s0;
	s17 =	sor.u32 $0x30, s6;
	[tilespmem:s1+$0x100] =	vst v2;
	v1 =	vld.idx.msk [tilespmem:v6+s20+$0x0], $0xffff  }
0x28a: {  	s18 =	sor.u32 s17, s16;
	v2 =	vor.u32 $0x180, v3;
	v6 =	vld.idx.msk [tilespmem:v7+s20+$0x0], $0xffff  }
0x28b: {  	s22 =	sor.u32 $0x10, s6;
	v7 =	vor.u32 $0x200, v5;
	[tilespmem:s10+$0x100] =	vst v8;
	v8 =	vld [tilespmem:s18+$0x0]  }
0x28c: {  	s23 =	sor.u32 $0x20, s6;
	s11 =	sor.u32 s22, s16;
	v9 =	vld.idx.msk [tilespmem:v9+s20+$0x0], $0xffff  }
0x28d: {  	s7 =	sor.u32 s23, s16;
	v13 =	vld [tilespmem:s11+$0x0];
	v12 =	vor.u32 $0x200, v4;
	v14 =	vshll.u32 v11, $0x3  }
0x28e: {  	v15 =	vld [tilespmem:s7+$0x0];
	[tilespmem:s2+$0x100] =	vst v10;
	v10 =	vor.u32 $0x200, v0;
	v11 =	vand.u32 $0x7F, v11;
	v14 =	vand.u32 $0xFFFFFC00, v14  }
0x28f: {  	p0 =	por $0x0, $0x0;
	s7 =	simm.s32 $0x1;
	v16 =	vld.idx.msk [tilespmem:v2+s20+$0x0], $0xffff;
	[tilespmem:s31+$0x180] =	vst v1;
	v1 =	vor.u32 v11, v14  }
0x290: {  	s7 =	simm.s32 @!p0 $0x0;
	v11 =	vor.u32 $0x200, v3;
	v7 =	vld.idx.msk [tilespmem:v7+s20+$0x0], $0xffff;
	v2 =	vshll.u32 v8, $0x3  }
0x291: {  	s7 =	sshll.u32 s7, $0x6;
	v8 =	vand.u32 $0x7F, v8;
	[tilespmem:s10+$0x180] =	vst v9;
	v2 =	vand.u32 $0xFFFFFC00, v2;
	v9 =	vor.u32 $0x280, v5  }
0x292: {  	s8 =	sadd.s32 $0x0, s7;
	v14 =	vor.u32 $0x280, v4;
	[tilespmem:s1+$0x180] =	vst v6;
	v6 =	vld.idx.msk [tilespmem:v12+s20+$0x0], $0xffff;
	v12 =	vshll.u32 v13, $0x3;
	v2 =	vor.u32 v8, v2  }
0x293: {  	s7 =	sadd.s32 $0x30, s8;
	v8 =	vld.idx.msk [tilespmem:v10+s20+$0x0], $0xffff;
	v10 =	vshll.u32 v15, $0x3;
	v13 =	vand.u32 $0x7F, v13;
	v12 =	vand.u32 $0xFFFFFC00, v12  }
0x294: {  	s26 =	sor.u32 $0x200, s7;
	v10 =	vand.u32 $0xFFFFFC00, v10;
	[tilespmem:s2+$0x180] =	vst v16;
	v17 =	vld.idx.msk [tilespmem:v1+s20+$0x0], $0xffff;
	v21 =	vor.u32 v13, v12;
	v12 =	vand.u32 $0x7F, v15  }
0x295: {  	s31 =	sadd.s32 $0x10, s8;
	v11 =	vld.idx.msk [tilespmem:v11+s20+$0x0], $0xffff;
	v10 =	vor.u32 v12, v10;
	[tilespmem:s26+$0x10800] =	vst v7  }
0x296: {  	s12 =	sor.u32 $0x200, s31;
	v7 =	vor.u32 $0x280, v0;
	v9 =	vld.idx.msk [tilespmem:v9+s20+$0x0], $0xffff  }
0x297: {  	s3 =	simm.s32 $0x200;
	s13 =	sor.u32 $0x200, s8;
	v12 =	vor.u32 $0x280, v3;
	v13 =	vld.idx.msk [tilespmem:v2+s20+$0x0], $0xffff;
	[tilespmem:s12+$0x10800] =	vst v6  }
0x298: {  	s14 =	sand.u32 $0x3C00, s3;
	s11 =	sadd.s32 $0x20, s8;
	[tilespmem:s13+$0x10800] =	vst v8;
	v8 =	vor.u32 $0x80, v1;
	v6 =	vld.idx.msk [tilespmem:v14+s20+$0x0], $0xffff  }
0x299: {  	s4 =	sadd.s32 $0x10800, s14;
	s12 =	sor.u32 $0x200, s11;
	v14 =	vor.u32 $0x300, v5;
	v15 =	vld.idx.msk [tilespmem:v21+s20+$0x0], $0xffff  }
0x29a: {  	v16 =	vor.u32 $0x80, v2;
	s2 =	sor.u32 s6, s4;
	[tilespmem:s12+$0x10800] =	vst v11;
	v18 =	vld.idx.msk [tilespmem:v10+s20+$0x0], $0xffff  }
0x29b: {  	s15 =	sor.u32 $0x280, s7;
	v19 =	vor.u32 $0x80, v21;
	[tilespmem:s2+$0x0] =	vst v17;
	v22 =	vld.idx.msk [tilespmem:v7+s20+$0x0], $0xffff  }
0x29c: {  	s25 =	sor.u32 s17, s4;
	v7 =	vor.u32 $0x80, v10;
	v11 =	vld.idx.msk [tilespmem:v12+s20+$0x0], $0xffff;
	[tilespmem:s15+$0x10800] =	vst v9  }
0x29d: {  	s16 =	sor.u32 $0x280, s31;
	v9 =	vor.u32 $0x300, v4;
	[tilespmem:s25+$0x0] =	vst v13;
	v8 =	vld.idx.msk [tilespmem:v8+s20+$0x0], $0xffff  }
0x29e: {  	s28 =	sor.u32 s22, s4;
	v13 =	vor.u32 $0x300, v3;
	v12 =	vld.idx.msk [tilespmem:v14+s20+$0x0], $0xffff;
	[tilespmem:s16+$0x10800] =	vst v6  }
0x29f: {  	v5 =	vor.u32 $0x380, v5;
	s15 =	sor.u32 s23, s4;
	v16 =	vld.idx.msk [tilespmem:v16+s20+$0x0], $0xffff;
	[tilespmem:s28+$0x0] =	vst v15  }
0x2a0: {  	s17 =	sor.u32 $0x280, s11;
	v17 =	vor.u32 $0x100, v2;
	v15 =	vld.idx.msk [tilespmem:v19+s20+$0x0], $0xffff;
	[tilespmem:s15+$0x0] =	vst v18  }
0x2a1: {  	s22 =	sor.u32 $0x280, s8;
	v18 =	vor.u32 $0x100, v1;
	[tilespmem:s17+$0x10800] =	vst v11;
	v7 =	vld.idx.msk [tilespmem:v7+s20+$0x0], $0xffff  }
0x2a2: {  	s18 =	sor.u32 $0x300, s7;
	v6 =	vor.u32 $0x100, v21;
	[tilespmem:s22+$0x10800] =	vst v22;
	v23 =	vld.idx.msk [tilespmem:v9+s20+$0x0], $0xffff  }
0x2a3: {  	v20 =	vor.u32 $0x100, v10;
	v14 =	vld.idx.msk [tilespmem:v13+s20+$0x0], $0xffff;
	[tilespmem:s18+$0x10800] =	vst v12  }
0x2a4: {  	[tilespmem:s25+$0x80] =	vst v16;
	v16 =	vor.u32 $0x300, v0;
	v24 =	vld.idx.msk [tilespmem:v5+s20+$0x0], $0xffff  }
0x2a5: {  	v25 =	vor.u32 $0x380, v4;
	[tilespmem:s2+$0x80] =	vst v8;
	v19 =	vld.idx.msk [tilespmem:v17+s20+$0x0], $0xffff  }
0x2a6: {  	v4 =	vor.u32 $0x380, v21;
	v17 =	vld.idx.msk [tilespmem:v18+s20+$0x0], $0xffff;
	[tilespmem:s28+$0x80] =	vst v15  }
0x2a7: {  	v11 =	vor.u32 $0x200, v21;
	v22 =	vor.u32 $0x180, v2;
	v13 =	vor.u32 $0x180, v21;
	v18 =	vld.idx.msk [tilespmem:v6+s20+$0x0], $0xffff;
	[tilespmem:s15+$0x80] =	vst v7  }
0x2a8: {  	s9 =	sor.u32 $0x380, s11;
	s6 =	simm.s32 $0x4;
	s26 =	sor.u32 $0x300, s31;
	v8 =	vor.u32 $0x280, v21;
	v6 =	vor.u32 $0x300, v21;
	v21 =	vor.u32 $0x180, v1;
	v20 =	vld.idx.msk [tilespmem:v20+s20+$0x0], $0xffff  }
0x2a9: {  	s23 =	sor.u32 $0x300, s11;
	v3 =	vor.u32 $0x380, v3;
	s17 =	sor.u32 $0x380, s31;
	s31 =	sor.u32 $0x380, s7;
	v9 =	vor.u32 $0x200, v10;
	v12 =	vor.u32 $0x180, v10;
	[tilespmem:s26+$0x10800] =	vst v23;
	v15 =	vld.idx.msk [tilespmem:v16+s20+$0x0], $0xffff  }
0x2aa: {  	s16 =	simm.s32 $0x80;
	s18 =	sor.u32 $0x300, s8;
	s8 =	sor.u32 $0x380, s8;
	v5 =	vor.u32 $0x300, v10;
	v7 =	vor.u32 $0x280, v10;
	v10 =	vor.u32 $0x380, v10;
	v16 =	vld.idx.msk [tilespmem:v25+s20+$0x0], $0xffff;
	[tilespmem:s31+$0x10800] =	vst v24  }
.LBB2_13:
0x2ab: {  	v23 =	vld [tilespmem:s16+$0x0];
	[tilespmem:s25+$0x100] =	vst v19;
	s0 =	sadd.s32 $0x40, s0  }
0x2ac: {  	s6 =	sadd.s32 $0x4, s6;
	s14 =	sand.u32 $0x40, s0;
	[tilespmem:s2+$0x100] =	vst v17;
	v17 =	vld.idx.msk [tilespmem:v22+s20+$0x0], $0xffff  }
0x2ad: {  	s1 =	sand.u32 $0x780, s0;
	p1 =	slt.u32 s6, $0x7C;
	s10 =	sor.u32 $0x30, s14;
	v19 =	vld.idx.msk [tilespmem:v21+s20+$0x0], $0xffff;
	[tilespmem:s28+$0x100] =	vst v18  }
0x2ae: {  	s12 =	sor.u32 $0x10, s14;
	s11 =	sor.u32 $0x20, s14;
	v18 =	vor.u32 $0x200, v2;
	s4 =	sor.u32 s10, s1;
	v13 =	vld.idx.msk [tilespmem:v13+s20+$0x0], $0xffff;
	[tilespmem:s15+$0x100] =	vst v20  }
0x2af: {  	v21 =	vor.u32 $0x200, v1;
	s7 =	sor.u32 s12, s1;
	s1 =	sor.u32 s11, s1;
	v20 =	vld [tilespmem:s4+$0x0];
	[tilespmem:s23+$0x10800] =	vst v14  }
0x2b0: {  	v14 =	vld [tilespmem:s7+$0x0];
	[tilespmem:s18+$0x10800] =	vst v15  }
0x2b1: {  	v15 =	vshll.u32 v23, $0x3;
	v22 =	vld [tilespmem:s1+$0x0];
	[tilespmem:s17+$0x10800] =	vst v16  }
0x2b2: {  	v16 =	vand.u32 $0x7F, v23;
	v15 =	vand.u32 $0xFFFFFC00, v15;
	v12 =	vld.idx.msk [tilespmem:v12+s20+$0x0], $0xffff;
	[tilespmem:s25+$0x180] =	vst v17;
	v17 =	vor.u32 $0x380, v0;
	v0 =	vmovc v1  }
0x2b3: {  	p0 =	por !p0, !p0;
	s1 =	simm.s32 $0x1;
	v1 =	vor.u32 v16, v15;
	[tilespmem:s2+$0x180] =	vst v19;
	v15 =	vld.idx.msk [tilespmem:v18+s20+$0x0], $0xffff  }
0x2b4: {  	s1 =	simm.s32 @!p0 $0x0;
	v16 =	vshll.u32 v20, $0x3;
	v18 =	vld.idx.msk [tilespmem:v21+s20+$0x0], $0xffff;
	[tilespmem:s28+$0x180] =	vst v13  }
0x2b5: {  	s1 =	sshll.u32 s1, $0x6;
	v13 =	vand.u32 $0x7F, v20;
	v16 =	vand.u32 $0xFFFFFC00, v16;
	v19 =	vld.idx.msk [tilespmem:v11+s20+$0x0], $0xffff;
	v11 =	vor.u32 $0x280, v2  }
0x2b6: {  	s2 =	sadd.s32 s1, s3;
	v20 =	vshll.u32 v14, $0x3;
	v21 =	vshll.u32 v22, $0x3;
	v16 =	vor.u32 v13, v16;
	v23 =	vld.idx.msk [tilespmem:v3+s20+$0x0], $0xffff;
	v3 =	vmovc v10  }
0x2b7: {  	s17 =	sadd.s32 $0x10, s2;
	s22 =	sadd.s32 $0x20, s2;
	s13 =	sadd.s32 $0x30, s2;
	v10 =	vand.u32 $0x7F, v14;
	v13 =	vand.u32 $0xFFFFFC00, v20;
	v14 =	vand.u32 $0xFFFFFC00, v21;
	v17 =	vld.idx.msk [tilespmem:v17+s20+$0x0], $0xffff  }
0x2b8: {  	s25 =	sor.u32 $0x200, s17;
	s1 =	sor.u32 $0x200, s13;
	v10 =	vor.u32 v10, v13;
	v13 =	vand.u32 $0x7F, v22;
	v21 =	vor.u32 $0x280, v0;
	v20 =	vld.idx.msk [tilespmem:v1+s20+$0x0], $0xffff;
	[tilespmem:s15+$0x180] =	vst v12;
	s15 =	sor.u32 $0x200, s22  }
0x2b9: {  	s7 =	sor.u32 $0x200, s2;
	s26 =	sor.u32 $0x280, s17;
	s4 =	sor.u32 $0x280, s22;
	v22 =	vor.u32 $0x80, v10;
	v24 =	vor.u32 $0x100, v10;
	v14 =	vor.u32 v13, v14;
	v25 =	vld.idx.msk [tilespmem:v9+s20+$0x0], $0xffff;
	[tilespmem:s1+$0x10800] =	vst v15  }
0x2ba: {  	s23 =	sor.u32 $0x300, s22;
	v13 =	vor.u32 $0x180, v10;
	v15 =	vor.u32 $0x80, v14;
	v26 =	vor.u32 $0x100, v14;
	s1 =	sor.u32 $0x280, s2;
	[tilespmem:s7+$0x10800] =	vst v18;
	s7 =	sor.u32 $0x300, s17;
	v18 =	vld.idx.msk [tilespmem:v11+s20+$0x0], $0xffff  }
0x2bb: {  	s18 =	sor.u32 $0x300, s2;
	s22 =	sor.u32 $0x380, s22;
	v12 =	vor.u32 $0x180, v14;
	v9 =	vor.u32 $0x200, v14;
	v11 =	vor.u32 $0x200, v10;
	s17 =	sor.u32 $0x380, s17;
	v27 =	vld.idx.msk [tilespmem:v16+s20+$0x0], $0xffff;
	[tilespmem:s25+$0x10800] =	vst v19  }
0x2bc: {  	v29 =	vor.u32 $0x300, v2;
	s2 =	sor.u32 $0x380, s2;
	v19 =	vor.u32 $0x280, v14;
	v28 =	vld.idx.msk [tilespmem:v8+s20+$0x0], $0xffff;
	v8 =	vor.u32 $0x280, v10;
	[tilespmem:s9+$0x10800] =	vst v23;
	s9 =	smov.u32 s22  }
0x2bd: {  	s3 =	sadd.s32 $0x200, s3;
	v32 =	vor.u32 $0x80, v16;
	v30 =	vor.u32 $0x300, v10;
	v31 =	vor.u32 $0x300, v14;
	v23 =	vld.idx.msk [tilespmem:v10+s20+$0x0], $0xffff;
	[tilespmem:s8+$0x10800] =	vst v17;
	s8 =	smov.u32 s2  }
0x2be: {  	v33 =	vor.u32 $0x380, v10;
	s2 =	sand.u32 $0x3C00, s3;
	v17 =	vor.u32 $0x80, v1;
	v10 =	vor.u32 $0x380, v14;
	v34 =	vld.idx.msk [tilespmem:v14+s20+$0x0], $0xffff  }
0x2bf: {  	s22 =	sadd.s32 $0x10800, s2;
	v35 =	vld.idx.msk [tilespmem:v21+s20+$0x0], $0xffff;
	[tilespmem:s15+$0x10800] =	vst v25;
	s15 =	sor.u32 $0x280, s13  }
0x2c0: {  	s2 =	sor.u32 s14, s22;
	s28 =	sor.u32 s12, s22;
	s25 =	sor.u32 s10, s22;
	v14 =	vld.idx.msk [tilespmem:v7+s20+$0x0], $0xffff;
	[tilespmem:s15+$0x10800] =	vst v18;
	v7 =	vmov v19  }
0x2c1: {  	s15 =	sor.u32 s11, s22;
	[tilespmem:s25+$0x0] =	vst v27;
	v18 =	vld.idx.msk [tilespmem:v29+s20+$0x0], $0xffff  }
0x2c2: {  	[tilespmem:s2+$0x0] =	vst v20;
	v19 =	vld.idx.msk [tilespmem:v32+s20+$0x0], $0xffff  }
0x2c3: {  	v20 =	vor.u32 $0x380, v2;
	v2 =	vmov v16;
	v17 =	vld.idx.msk [tilespmem:v17+s20+$0x0], $0xffff;
	[tilespmem:s28+$0x0] =	vst v23  }
0x2c4: {  	v21 =	vor.u32 $0x100, v2;
	v16 =	vld.idx.msk [tilespmem:v22+s20+$0x0], $0xffff;
	[tilespmem:s15+$0x0] =	vst v34  }
0x2c5: {  	v22 =	vor.u32 $0x100, v1;
	v15 =	vld.idx.msk [tilespmem:v15+s20+$0x0], $0xffff;
	[tilespmem:s26+$0x10800] =	vst v28  }
0x2c6: {  	v23 =	vld.idx.msk [tilespmem:v6+s20+$0x0], $0xffff;
	[tilespmem:s4+$0x10800] =	vst v14;
	s4 =	sor.u32 $0x300, s13;
	v6 =	vmov v30  }
0x2c7: {  	v14 =	vld.idx.msk [tilespmem:v5+s20+$0x0], $0xffff;
	[tilespmem:s4+$0x10800] =	vst v18;
	v5 =	vmov v31  }
0x2c8: {  	v25 =	vor.u32 $0x300, v0;
	[tilespmem:s25+$0x80] =	vst v19;
	v27 =	vld.idx.msk [tilespmem:v20+s20+$0x0], $0xffff  }
0x2c9: {  	[tilespmem:s2+$0x80] =	vst v17;
	v19 =	vld.idx.msk [tilespmem:v21+s20+$0x0], $0xffff  }
.Ltmp6:
0x2ca: {  	v17 =	vld.idx.msk [tilespmem:v22+s20+$0x0], $0xffff;
	[tilespmem:s28+$0x80] =	vst v16;
	(pc) =	sbr.rel @p1 .LBB2_13-.Ltmp6, $4  }
0x2cb: {  	v22 =	vor.u32 $0x180, v2;
	v18 =	vld.idx.msk [tilespmem:v24+s20+$0x0], $0xffff;
	[tilespmem:s15+$0x80] =	vst v15  }
0x2cc: {  	v21 =	vor.u32 $0x180, v1;
	v20 =	vld.idx.msk [tilespmem:v26+s20+$0x0], $0xffff;
	[tilespmem:s1+$0x10800] =	vst v35  }
0x2cd: {  	s1 =	sor.u32 $0x380, s13;
	v15 =	vld.idx.msk [tilespmem:v25+s20+$0x0], $0xffff;
	[tilespmem:s7+$0x10800] =	vst v23  }
0x2ce: {  	s16 =	sadd.s32 $0x40, s16;
	v16 =	vld.idx.msk [tilespmem:v4+s20+$0x0], $0xffff;
	[tilespmem:s1+$0x10800] =	vst v27;
	v4 =	vmov v33  }
0x2cf: {  	_ =	sdelay $0x2  }
0x2d0: {  	[tilespmem:s25+$0x100] =	vst v19  }
0x2d1: {  	[tilespmem:s2+$0x100] =	vst v17;
	v19 =	vld.idx.msk [tilespmem:v22+s20+$0x0], $0xffff  }
0x2d2: {  	v53 =	vor.u32 $0x200, v2;
	[tilespmem:s28+$0x100] =	vst v18;
	v17 =	vld.idx.msk [tilespmem:v21+s20+$0x0], $0xffff  }
0x2d3: {  	v54 =	vor.u32 $0x200, v1;
	v13 =	vld.idx.msk [tilespmem:v13+s20+$0x0], $0xffff;
	[tilespmem:s15+$0x100] =	vst v20  }
0x2d4: {  	v12 =	vld.idx.msk [tilespmem:v12+s20+$0x0], $0xffff;
	_ =	sdelay $0x1  }
0x2d5: {  	p0 =	por !p0, !p0;
	s0 =	simm.s32 $0x1;
	[tilespmem:s25+$0x180] =	vst v19  }
0x2d6: {  	s0 =	simm.s32 @!p0 $0x0;
	[tilespmem:s2+$0x180] =	vst v17;
	v18 =	vld.idx.msk [tilespmem:v53+s20+$0x0], $0xffff  }
0x2d7: {  	v55 =	vor.u32 $0x280, v2;
	s0 =	sshll.u32 s0, $0x6;
	[tilespmem:s28+$0x180] =	vst v13;
	v56 =	vld.idx.msk [tilespmem:v54+s20+$0x0], $0xffff  }
0x2d8: {  	v57 =	vor.u32 $0x280, v1;
	s0 =	sadd.s32 s0, s3;
	v11 =	vld.idx.msk [tilespmem:v11+s20+$0x0], $0xffff;
	[tilespmem:s15+$0x180] =	vst v12  }
0x2d9: {  	s1 =	sadd.s32 $0x30, s0;
	v9 =	vld.idx.msk [tilespmem:v9+s20+$0x0], $0xffff  }
0x2da: {  	s10 =	sor.u32 $0x200, s1  }
0x2db: {  	s7 =	sadd.s32 $0x10, s0;
	s12 =	sor.u32 $0x200, s0;
	[tilespmem:s10+$0x10800] =	vst v18  }
0x2dc: {  	s4 =	sadd.s32 $0x20, s0;
	s6 =	sor.u32 $0x200, s7;
	[tilespmem:s12+$0x10800] =	vst v56;
	v13 =	vld.idx.msk [tilespmem:v55+s20+$0x0], $0xffff  }
0x2dd: {  	v58 =	vor.u32 $0x300, v2;
	s11 =	sor.u32 $0x200, s4;
	[tilespmem:s6+$0x10800] =	vst v11;
	v59 =	vld.idx.msk [tilespmem:v57+s20+$0x0], $0xffff  }
0x2de: {  	v60 =	vor.u32 $0x300, v1;
	v8 =	vld.idx.msk [tilespmem:v8+s20+$0x0], $0xffff;
	[tilespmem:s11+$0x10800] =	vst v9  }
0x2df: {  	v7 =	vld.idx.msk [tilespmem:v7+s20+$0x0], $0xffff  }
0x2e0: {  	[tilespmem:s23+$0x10800] =	vst v14;
	s13 =	sor.u32 $0x280, s1  }
0x2e1: {  	s16 =	sor.u32 $0x280, s0;
	[tilespmem:s13+$0x10800] =	vst v13  }
0x2e2: {  	v0 =	vor.u32 $0x380, v0;
	s14 =	sor.u32 $0x280, s7;
	[tilespmem:s16+$0x10800] =	vst v59;
	v11 =	vld.idx.msk [tilespmem:v58+s20+$0x0], $0xffff  }
0x2e3: {  	v61 =	vor.u32 $0x380, v2;
	s15 =	sor.u32 $0x280, s4;
	[tilespmem:s14+$0x10800] =	vst v8;
	v62 =	vld.idx.msk [tilespmem:v60+s20+$0x0], $0xffff  }
0x2e4: {  	v63 =	vor.u32 $0x380, v1;
	v6 =	vld.idx.msk [tilespmem:v6+s20+$0x0], $0xffff;
	[tilespmem:s15+$0x10800] =	vst v7  }
0x2e5: {  	[tilespmem:s18+$0x10800] =	vst v15;
	v5 =	vld.idx.msk [tilespmem:v5+s20+$0x0], $0xffff  }
0x2e6: {  	v3 =	vld.idx.msk [tilespmem:v3+s20+$0x0], $0xffff;
	[tilespmem:s17+$0x10800] =	vst v16;
	s17 =	sor.u32 $0x300, s1  }
0x2e7: {  	s23 =	sor.u32 $0x300, s0;
	v0 =	vld.idx.msk [tilespmem:v0+s20+$0x0], $0xffff;
	[tilespmem:s17+$0x10800] =	vst v11  }
0x2e8: {  	s18 =	sor.u32 $0x300, s7;
	[tilespmem:s23+$0x10800] =	vst v62;
	v2 =	vld.idx.msk [tilespmem:v61+s20+$0x0], $0xffff  }
0x2e9: {  	s22 =	sor.u32 $0x300, s4;
	[tilespmem:s18+$0x10800] =	vst v6;
	v1 =	vld.idx.msk [tilespmem:v63+s20+$0x0], $0xffff  }
0x2ea: {  	v4 =	vld.idx.msk [tilespmem:v4+s20+$0x0], $0xffff;
	[tilespmem:s22+$0x10800] =	vst v5  }
0x2eb: {  	[tilespmem:s9+$0x10800] =	vst v3;
	v5 =	vld.idx.msk [tilespmem:v10+s20+$0x0], $0xffff  }
0x2ec: {  	s1 =	sor.u32 $0x380, s1;
	[tilespmem:s8+$0x10800] =	vst v0  }
0x2ed: {  	s0 =	sor.u32 $0x380, s0;
	[tilespmem:s1+$0x10800] =	vst v2  }
0x2ee: {  	s2 =	sor.u32 $0x380, s7;
	[tilespmem:s0+$0x10800] =	vst v1  }
0x2ef: {  	s25 =	sor.u32 $0x380, s4;
	[tilespmem:s2+$0x10800] =	vst v4  }
0x2f0: {  	[tilespmem:s25+$0x10800] =	vst v5  }
0x2f1: {  	s26 =	simm.s32 $0x10800;
	s28 =	simm.s32 $0x6;
	s0 =	rddreg [dreg:$0xe]  }
0x2f2: {  	[hbm4b:s0+s5] =	stream.linear.scatter [tilespmem:s26], [sflag:$0x5], $0x4000, $0x38;
	[tilespmem:$0x18800] =	vst v63  }
0x2f3: {  	_ =	swait.ge [sflag:s28], $0x4000  }
0x2f4: {  	[sflag:s28] =	ssyncset.done $0x0  }
0x2f5: {  	[sflag:s28] =	ssyncadd.s32 $0xFFFFC000  }
0x2f6: {  	_ =	swait.ge [sflag:s29], $0x4000  }
0x2f7: {  	[sflag:s29] =	ssyncset.done $0x0  }
0x2f8: {  	[sflag:s29] =	ssyncadd.s32 $0xFFFFC000  }
0x2f9: {  	_ =	swait.ge [sflag:s30], $0x4000  }
0x2fa: {  	s29 =	rddreg [dreg:$0x10]  }
0x2fb: {  	s31 =	rddreg [dreg:$0xf];
	s1 =	sadd.s32 $0x1, s29  }
0x2fc: {  	p0 =	sne.s32 s1, s31  }
.Ltmp7:
0x2fd: {  	_ = 	snop;
	(pc) =	sbr.rel @p0 .LBB2_1-.Ltmp7, $3  }
0x2fe: {  	_ =	sdelay $0x1  }
0x2ff: {  	[sflag:s30] =	ssyncset.done $0x0  }
0x300: {  	[sflag:s30] =	ssyncadd.s32 $0xFFFFC000  }
0x301: {  	_ =	sfence.sel $0x180000  }
0x302: {  	[bflag:$0x0] =	sbarrier.arrive $0xFFFF  }
0x303: {  	_ =	strace $0x90000047  }
0x304: {  	s0 =	stileid.u32;
	[bflag:$0x2] =	sbarrier.arrive $0xFFFF  }
0x305: {  	p0 =	sne.s32 s0, $0x0;
	s0 =	rddreg [dreg:$0x3]  }
0x306: {  	s0 =	sadd.s32 @!p0 $0x100000, s0  }
0x307: {  	[sflag:s0] =	ssyncadd.tile.s32 @!p0 $0x1;
	_ =	shalt  }
.Lfunc_end2:
_tile_overlayer_lowered:
.L_overlay_start_2:
0x308: {  	(tag) =	ssettag $0x2  }
0x309: {  	s0 =	rddreg [dreg:$0x0];
	s2 =	stileid.u32  }
0x30a: {  	s1 =	rddreg [dreg:$0x1];
	p0 =	sne.s32 s2, $0x0  }
0x30b: {  	s3 =	rddreg [dreg:$0x2];
	[bflag:$0x3] =	sbarrier.arrive $0xFFFF;
	s2 =	simm.s32 @!p0 $0x1C07  }
0x30c: {  	[timem:s3], [sflag:s2] =	dma.local @!p0 [hbm:s0], s1  }
0x30d: {  	s0 =	simm.s32 @!p0 $0x7  }
0x30e: {  	_ =	swait.ge @!p0 [sflag:s0], s1  }
0x30f: {  	s1 =	ssub.s32 @!p0 $0x0, s1;
	[sflag:s0] =	ssyncset.done @!p0 $0x0  }
0x310: {  	[sflag:s0] =	ssyncadd.s32 @!p0 s1  }
0x311: {  	[bflag:$0x3] =	sbarrier.arrive $0xFFFF  }
0x312: {  	_ =	shalt  }

</sc_bundles>
